<compile_context>
chip_gen: v7x
topology: tpu7x:2x2x1
jax: 0.10.2.dev20260603
libtpu: 0.0.44.dev20260713+nightly
codegen_flags: <defaults>
</compile_context>

<pallas_src>
import functools

import jax
import jax.numpy as jnp
from jax import lax
from jax.experimental import pallas as pl
from jax.experimental.pallas import tpu as pltpu
from jax.experimental.pallas import tpu_sc as plsc

_NC = 2
_NS = 16
_NW = _NC * _NS
_L = 16
_CH = 128


def _sc_sample(ids, mu, log_sigma, eps):
    B = ids.shape[0]
    b_per_w = B // _NW
    nch = b_per_w // _CH
    mesh = plsc.VectorSubcoreMesh(core_axis_name="c", subcore_axis_name="s")

    @functools.partial(
        pl.kernel,
        mesh=mesh,
        out_type=jax.ShapeDtypeStruct((B,), jnp.float32),
        scratch_types=[
            pltpu.VMEM((b_per_w,), jnp.int32),
            pltpu.VMEM((b_per_w,), jnp.float32),
            pltpu.VMEM((b_per_w,), jnp.float32),
            pltpu.VMEM((b_per_w,), jnp.float32),
            pltpu.VMEM((b_per_w,), jnp.float32),
            pltpu.SemaphoreType.DMA,
            pltpu.SemaphoreType.DMA,
            pltpu.SemaphoreType.DMA,
            pltpu.SemaphoreType.DMA,
            pltpu.SemaphoreType.DMA,
            pltpu.SemaphoreType.DMA,
            pltpu.SemaphoreType.DMA,
        ],
    )
    def k(ids_hbm, mu_hbm, ls_hbm, eps_hbm, out_hbm,
          idx_v, mu_v, ls_v, eps_v, out_v,
          semi, seme, semo, semg0, semg1, semg2, semg3):
        wid = lax.axis_index("s") * _NC + lax.axis_index("c")
        base = wid * b_per_w
        semg = (semg0, semg1, semg2, semg3)

        cis = []
        for c in range(nch):
            s = pl.ds(c * _CH, _CH)
            cis.append(pltpu.async_copy(
                ids_hbm.at[pl.ds(base + c * _CH, _CH)], idx_v.at[s], semi))
        ce = pltpu.async_copy(eps_hbm.at[pl.ds(base, b_per_w)], eps_v, seme)
        gs = []
        for c in range(nch):
            s = pl.ds(c * _CH, _CH)
            cis[c].wait()
            gs.append((
                pltpu.async_copy(mu_hbm.at[idx_v.at[s]], mu_v.at[s], semg[c]),
                pltpu.async_copy(ls_hbm.at[idx_v.at[s]], ls_v.at[s], semg[c]),
            ))
        ce.wait()
        outs = []
        for c in range(nch):
            gs[c][0].wait()
            gs[c][1].wait()
            for i in range(_CH // _L):
                so = pl.ds(c * _CH + i * _L, _L)
                cval = mu_v[so] + jnp.exp(ls_v[so]) * eps_v[so]
                out_v[so] = jnp.maximum(cval, jnp.float32(1e-6))
            outs.append(pltpu.async_copy(
                out_v.at[pl.ds(c * _CH, _CH)],
                out_hbm.at[pl.ds(base + c * _CH, _CH)], semo))
        for o in outs:
            o.wait()

    return k(ids, mu, log_sigma, eps)


def kernel(batch_size, family_ids, mu, log_sigma):
    ids = family_ids.astype(jnp.int32)
    B = ids.shape[0]
    eps = jax.random.normal(jax.random.key(42), (B,), dtype=jnp.float32)
    return _sc_sample(ids, mu, log_sigma, eps)

# --- scband reference (transcript-rebuilt; emitter-appended) ---
"""Pipeline reference for scband-normal-concentration-34875134443624 (READ-ONLY COPY).

The authoritative reference and input builder live on the scoring server;
editing this copy changes nothing except your own understanding.
"""

import jax, jax.numpy as jnp
import numpy as np

N_FAMILIES = 1000000
BATCH = 16384

def setup_inputs(seed: int = 0) -> dict:
    key = jax.random.key(seed)
    k1, _ = jax.random.split(key)
    family_ids = jax.random.randint(k1, (BATCH,), 0, N_FAMILIES)
    mu = jnp.ones((N_FAMILIES,), dtype=jnp.float32) * 5.0
    log_sigma = jnp.ones((N_FAMILIES,), dtype=jnp.float32) * jnp.log(jnp.asarray(1.0, dtype=jnp.float32))
    return {"batch_size": BATCH, "family_ids": family_ids, "mu": mu, "log_sigma": log_sigma}

def reference(batch_size, family_ids, mu, log_sigma):
    # gather per-family parameters (embedding-style lookup)
    batch_mu = jnp.take(mu, family_ids, axis=0)
    batch_sigma = jnp.exp(jnp.take(log_sigma, family_ids, axis=0))
    # reparameterized sample: c = mu + sigma * eps, eps ~ N(0, 1)
    eps = jax.random.normal(jax.random.key(42), batch_mu.shape, dtype=batch_mu.dtype)
    c = batch_mu + batch_sigma * eps
    return jnp.maximum(c, 1e-06)

if __name__ == "__main__":
    import jax
    _d = setup_inputs()
    print(jax.jit(kernel)(*tuple(_d.values())))

</pallas_src>

<mosaic_0001>
#map = affine_map<(d0, d1) -> (0)>
module attributes {stable_mosaic.version = 14 : i64} {
  func.func @k(%arg0: i32, %arg1: i32, %arg2: memref<16384xi32, #tpu.memory_space<hbm>>, %arg3: memref<1000000xf32, #tpu.memory_space<hbm>>, %arg4: memref<1000000xf32, #tpu.memory_space<hbm>>, %arg5: memref<16384xf32, #tpu.memory_space<hbm>>, %arg6: memref<16384xf32, #tpu.memory_space<hbm>>, %arg7: memref<512xi32, #tpu.memory_space<vmem>>, %arg8: memref<512xf32, #tpu.memory_space<vmem>>, %arg9: memref<512xf32, #tpu.memory_space<vmem>>, %arg10: memref<512xf32, #tpu.memory_space<vmem>>, %arg11: memref<512xf32, #tpu.memory_space<vmem>>, %arg12: memref<!tpu.dma_semaphore, #tpu.memory_space<semaphore_mem>>, %arg13: memref<!tpu.dma_semaphore, #tpu.memory_space<semaphore_mem>>, %arg14: memref<!tpu.dma_semaphore, #tpu.memory_space<semaphore_mem>>, %arg15: memref<!tpu.dma_semaphore, #tpu.memory_space<semaphore_mem>>, %arg16: memref<!tpu.dma_semaphore, #tpu.memory_space<semaphore_mem>>, %arg17: memref<!tpu.dma_semaphore, #tpu.memory_space<semaphore_mem>>, %arg18: memref<!tpu.dma_semaphore, #tpu.memory_space<semaphore_mem>>) attributes {dimension_semantics = [#tpu.dimension_semantics<core_parallel>, #tpu.dimension_semantics<subcore_parallel>], iteration_bounds = array<i64: 2, 16>, scalar_prefetch = 0 : i64, scratch_operands = 12 : i64, tpu.core_type = #tpu.core_type<sc_vector_subcore>, window_params = [{transform_indices = #map}, {transform_indices = #map}, {transform_indices = #map}, {transform_indices = #map}, {transform_indices = #map}]} {
    %mul3A = arith.constant 2 : i32
    %mul3A_0 = arith.muli %arg1, %mul3A : i32
    %add3A = arith.addi %mul3A_0, %arg0 : i32
    %mul3A_1 = arith.constant 512 : i32
    %mul3A_2 = arith.muli %add3A, %mul3A_1 : i32
    %add3A_3 = arith.constant 0 : i32
    %add3A_4 = arith.addi %mul3A_2, %add3A_3 : i32
    %dma_start3A = arith.constant 0 : i32
    %dma_start3A_5 = tpu.memref_slice %arg7[%dma_start3A] : memref<512xi32, #tpu.memory_space<vmem>> -> memref<128xi32, #tpu.memory_space<vmem>>
    %dma_start3A_6 = tpu.memref_slice %arg2[%add3A_4] : memref<16384xi32, #tpu.memory_space<hbm>> -> memref<128xi32, #tpu.memory_space<hbm>>
    %dma_start3A_7 = arith.constant 0 : i32
    %dma_start3A_8 = tpu.memref_slice %arg7[%dma_start3A_7] : memref<512xi32, #tpu.memory_space<vmem>> -> memref<128xi32, #tpu.memory_space<vmem>>
    %dma_start3A_9 = tpu.memref_slice %arg2[%add3A_4] : memref<16384xi32, #tpu.memory_space<hbm>> -> memref<128xi32, #tpu.memory_space<hbm>>
    tpu.enqueue_dma source(%dma_start3A_9 : memref<128xi32, #tpu.memory_space<hbm>>) target(%dma_start3A_8 : memref<128xi32, #tpu.memory_space<vmem>>) target_semaphore(%arg12 : memref<!tpu.dma_semaphore, #tpu.memory_space<semaphore_mem>>)
    %add3A_10 = arith.constant 128 : i32
    %add3A_11 = arith.addi %mul3A_2, %add3A_10 : i32
    %dma_start3A_12 = arith.constant 128 : i32
    %dma_start3A_13 = tpu.memref_slice %arg7[%dma_start3A_12] : memref<512xi32, #tpu.memory_space<vmem>> -> memref<128xi32, #tpu.memory_space<vmem>>
    %dma_start3A_14 = tpu.memref_slice %arg2[%add3A_11] : memref<16384xi32, #tpu.memory_space<hbm>> -> memref<128xi32, #tpu.memory_space<hbm>>
    %dma_start3A_15 = arith.constant 128 : i32
    %dma_start3A_16 = tpu.memref_slice %arg7[%dma_start3A_15] : memref<512xi32, #tpu.memory_space<vmem>> -> memref<128xi32, #tpu.memory_space<vmem>>
    %dma_start3A_17 = tpu.memref_slice %arg2[%add3A_11] : memref<16384xi32, #tpu.memory_space<hbm>> -> memref<128xi32, #tpu.memory_space<hbm>>
    tpu.enqueue_dma source(%dma_start3A_17 : memref<128xi32, #tpu.memory_space<hbm>>) target(%dma_start3A_16 : memref<128xi32, #tpu.memory_space<vmem>>) target_semaphore(%arg12 : memref<!tpu.dma_semaphore, #tpu.memory_space<semaphore_mem>>)
    %add3A_18 = arith.constant 256 : i32
    %add3A_19 = arith.addi %mul3A_2, %add3A_18 : i32
    %dma_start3A_20 = arith.constant 256 : i32
    %dma_start3A_21 = tpu.memref_slice %arg7[%dma_start3A_20] : memref<512xi32, #tpu.memory_space<vmem>> -> memref<128xi32, #tpu.memory_space<vmem>>
    %dma_start3A_22 = tpu.memref_slice %arg2[%add3A_19] : memref<16384xi32, #tpu.memory_space<hbm>> -> memref<128xi32, #tpu.memory_space<hbm>>
    %dma_start3A_23 = arith.constant 256 : i32
    %dma_start3A_24 = tpu.memref_slice %arg7[%dma_start3A_23] : memref<512xi32, #tpu.memory_space<vmem>> -> memref<128xi32, #tpu.memory_space<vmem>>
    %dma_start3A_25 = tpu.memref_slice %arg2[%add3A_19] : memref<16384xi32, #tpu.memory_space<hbm>> -> memref<128xi32, #tpu.memory_space<hbm>>
    tpu.enqueue_dma source(%dma_start3A_25 : memref<128xi32, #tpu.memory_space<hbm>>) target(%dma_start3A_24 : memref<128xi32, #tpu.memory_space<vmem>>) target_semaphore(%arg12 : memref<!tpu.dma_semaphore, #tpu.memory_space<semaphore_mem>>)
    %add3A_26 = arith.constant 384 : i32
    %add3A_27 = arith.addi %mul3A_2, %add3A_26 : i32
    %dma_start3A_28 = arith.constant 384 : i32
    %dma_start3A_29 = tpu.memref_slice %arg7[%dma_start3A_28] : memref<512xi32, #tpu.memory_space<vmem>> -> memref<128xi32, #tpu.memory_space<vmem>>
    %dma_start3A_30 = tpu.memref_slice %arg2[%add3A_27] : memref<16384xi32, #tpu.memory_space<hbm>> -> memref<128xi32, #tpu.memory_space<hbm>>
    %dma_start3A_31 = arith.constant 384 : i32
    %dma_start3A_32 = tpu.memref_slice %arg7[%dma_start3A_31] : memref<512xi32, #tpu.memory_space<vmem>> -> memref<128xi32, #tpu.memory_space<vmem>>
    %dma_start3A_33 = tpu.memref_slice %arg2[%add3A_27] : memref<16384xi32, #tpu.memory_space<hbm>> -> memref<128xi32, #tpu.memory_space<hbm>>
    tpu.enqueue_dma source(%dma_start3A_33 : memref<128xi32, #tpu.memory_space<hbm>>) target(%dma_start3A_32 : memref<128xi32, #tpu.memory_space<vmem>>) target_semaphore(%arg12 : memref<!tpu.dma_semaphore, #tpu.memory_space<semaphore_mem>>)
    %dma_start3A_34 = tpu.memref_slice %arg5[%mul3A_2] : memref<16384xf32, #tpu.memory_space<hbm>> -> memref<512xf32, #tpu.memory_space<hbm>>
    %dma_start3A_35 = tpu.memref_slice %arg5[%mul3A_2] : memref<16384xf32, #tpu.memory_space<hbm>> -> memref<512xf32, #tpu.memory_space<hbm>>
    tpu.enqueue_dma source(%dma_start3A_35 : memref<512xf32, #tpu.memory_space<hbm>>) target(%arg10 : memref<512xf32, #tpu.memory_space<vmem>>) target_semaphore(%arg13 : memref<!tpu.dma_semaphore, #tpu.memory_space<semaphore_mem>>)
    %dma_wait3A = arith.constant 0 : i32
    %dma_wait3A_36 = tpu.memref_slice %arg7[%dma_wait3A] : memref<512xi32, #tpu.memory_space<vmem>> -> memref<128xi32, #tpu.memory_space<vmem>>
    %dma_wait3A_37 = tpu.memref_slice %arg2[%add3A_4] : memref<16384xi32, #tpu.memory_space<hbm>> -> memref<128xi32, #tpu.memory_space<hbm>>
    %dma_wait3A_38 = arith.constant 0 : i32
    %dma_wait3A_39 = tpu.memref_slice %arg7[%dma_wait3A_38] : memref<512xi32, #tpu.memory_space<vmem>> -> memref<128xi32, #tpu.memory_space<vmem>>
    %dma_wait3A_40 = tpu.memref_slice %arg2[%add3A_4] : memref<16384xi32, #tpu.memory_space<hbm>> -> memref<128xi32, #tpu.memory_space<hbm>>
    tpu.wait_dma2 semaphore(%arg12 : memref<!tpu.dma_semaphore, #tpu.memory_space<semaphore_mem>>) src(%dma_wait3A_40 : memref<128xi32, #tpu.memory_space<hbm>>) dst(%dma_wait3A_39 : memref<128xi32, #tpu.memory_space<vmem>>)
    %dma_start3A_41 = arith.constant 0 : i32
    %dma_start3A_42 = tpu.memref_slice %arg8[%dma_start3A_41] : memref<512xf32, #tpu.memory_space<vmem>> -> memref<128xf32, #tpu.memory_space<vmem>>
    %dma_start3A_43 = arith.constant 0 : i32
    %dma_start3A_44 = tpu.memref_slice %arg7[%dma_start3A_43] : memref<512xi32, #tpu.memory_space<vmem>> -> memref<128xi32, #tpu.memory_space<vmem>>
    %dma_start3A_45 = arith.constant 0 : i32
    %dma_start3A_46 = tpu.memref_slice %arg3[%dma_start3A_45] : memref<1000000xf32, #tpu.memory_space<hbm>> -> memref<1000000xf32, #tpu.memory_space<hbm>>
    tpu.enqueue_indirect_dma source(%dma_start3A_46 : memref<1000000xf32, #tpu.memory_space<hbm>>) target(%dma_start3A_42 : memref<128xf32, #tpu.memory_space<vmem>>) offsets(%dma_start3A_44 : memref<128xi32, #tpu.memory_space<vmem>>) semaphore(%arg15 : memref<!tpu.dma_semaphore, #tpu.memory_space<semaphore_mem>>)
    %dma_start3A_47 = arith.constant 0 : i32
    %dma_start3A_48 = tpu.memref_slice %arg9[%dma_start3A_47] : memref<512xf32, #tpu.memory_space<vmem>> -> memref<128xf32, #tpu.memory_space<vmem>>
    %dma_start3A_49 = arith.constant 0 : i32
    %dma_start3A_50 = tpu.memref_slice %arg7[%dma_start3A_49] : memref<512xi32, #tpu.memory_space<vmem>> -> memref<128xi32, #tpu.memory_space<vmem>>
    %dma_start3A_51 = arith.constant 0 : i32
    %dma_start3A_52 = tpu.memref_slice %arg4[%dma_start3A_51] : memref<1000000xf32, #tpu.memory_space<hbm>> -> memref<1000000xf32, #tpu.memory_space<hbm>>
    tpu.enqueue_indirect_dma source(%dma_start3A_52 : memref<1000000xf32, #tpu.memory_space<hbm>>) target(%dma_start3A_48 : memref<128xf32, #tpu.memory_space<vmem>>) offsets(%dma_start3A_50 : memref<128xi32, #tpu.memory_space<vmem>>) semaphore(%arg15 : memref<!tpu.dma_semaphore, #tpu.memory_space<semaphore_mem>>)
    %dma_wait3A_53 = arith.constant 128 : i32
    %dma_wait3A_54 = tpu.memref_slice %arg7[%dma_wait3A_53] : memref<512xi32, #tpu.memory_space<vmem>> -> memref<128xi32, #tpu.memory_space<vmem>>
    %dma_wait3A_55 = tpu.memref_slice %arg2[%add3A_11] : memref<16384xi32, #tpu.memory_space<hbm>> -> memref<128xi32, #tpu.memory_space<hbm>>
    %dma_wait3A_56 = arith.constant 128 : i32
    %dma_wait3A_57 = tpu.memref_slice %arg7[%dma_wait3A_56] : memref<512xi32, #tpu.memory_space<vmem>> -> memref<128xi32, #tpu.memory_space<vmem>>
    %dma_wait3A_58 = tpu.memref_slice %arg2[%add3A_11] : memref<16384xi32, #tpu.memory_space<hbm>> -> memref<128xi32, #tpu.memory_space<hbm>>
    tpu.wait_dma2 semaphore(%arg12 : memref<!tpu.dma_semaphore, #tpu.memory_space<semaphore_mem>>) src(%dma_wait3A_58 : memref<128xi32, #tpu.memory_space<hbm>>) dst(%dma_wait3A_57 : memref<128xi32, #tpu.memory_space<vmem>>)
    %dma_start3A_59 = arith.constant 128 : i32
    %dma_start3A_60 = tpu.memref_slice %arg8[%dma_start3A_59] : memref<512xf32, #tpu.memory_space<vmem>> -> memref<128xf32, #tpu.memory_space<vmem>>
    %dma_start3A_61 = arith.constant 128 : i32
    %dma_start3A_62 = tpu.memref_slice %arg7[%dma_start3A_61] : memref<512xi32, #tpu.memory_space<vmem>> -> memref<128xi32, #tpu.memory_space<vmem>>
    %dma_start3A_63 = arith.constant 0 : i32
    %dma_start3A_64 = tpu.memref_slice %arg3[%dma_start3A_63] : memref<1000000xf32, #tpu.memory_space<hbm>> -> memref<1000000xf32, #tpu.memory_space<hbm>>
    tpu.enqueue_indirect_dma source(%dma_start3A_64 : memref<1000000xf32, #tpu.memory_space<hbm>>) target(%dma_start3A_60 : memref<128xf32, #tpu.memory_space<vmem>>) offsets(%dma_start3A_62 : memref<128xi32, #tpu.memory_space<vmem>>) semaphore(%arg16 : memref<!tpu.dma_semaphore, #tpu.memory_space<semaphore_mem>>)
    %dma_start3A_65 = arith.constant 128 : i32
    %dma_start3A_66 = tpu.memref_slice %arg9[%dma_start3A_65] : memref<512xf32, #tpu.memory_space<vmem>> -> memref<128xf32, #tpu.memory_space<vmem>>
    %dma_start3A_67 = arith.constant 128 : i32
    %dma_start3A_68 = tpu.memref_slice %arg7[%dma_start3A_67] : memref<512xi32, #tpu.memory_space<vmem>> -> memref<128xi32, #tpu.memory_space<vmem>>
    %dma_start3A_69 = arith.constant 0 : i32
    %dma_start3A_70 = tpu.memref_slice %arg4[%dma_start3A_69] : memref<1000000xf32, #tpu.memory_space<hbm>> -> memref<1000000xf32, #tpu.memory_space<hbm>>
    tpu.enqueue_indirect_dma source(%dma_start3A_70 : memref<1000000xf32, #tpu.memory_space<hbm>>) target(%dma_start3A_66 : memref<128xf32, #tpu.memory_space<vmem>>) offsets(%dma_start3A_68 : memref<128xi32, #tpu.memory_space<vmem>>) semaphore(%arg16 : memref<!tpu.dma_semaphore, #tpu.memory_space<semaphore_mem>>)
    %dma_wait3A_71 = arith.constant 256 : i32
    %dma_wait3A_72 = tpu.memref_slice %arg7[%dma_wait3A_71] : memref<512xi32, #tpu.memory_space<vmem>> -> memref<128xi32, #tpu.memory_space<vmem>>
    %dma_wait3A_73 = tpu.memref_slice %arg2[%add3A_19] : memref<16384xi32, #tpu.memory_space<hbm>> -> memref<128xi32, #tpu.memory_space<hbm>>
    %dma_wait3A_74 = arith.constant 256 : i32
    %dma_wait3A_75 = tpu.memref_slice %arg7[%dma_wait3A_74] : memref<512xi32, #tpu.memory_space<vmem>> -> memref<128xi32, #tpu.memory_space<vmem>>
    %dma_wait3A_76 = tpu.memref_slice %arg2[%add3A_19] : memref<16384xi32, #tpu.memory_space<hbm>> -> memref<128xi32, #tpu.memory_space<hbm>>
    tpu.wait_dma2 semaphore(%arg12 : memref<!tpu.dma_semaphore, #tpu.memory_space<semaphore_mem>>) src(%dma_wait3A_76 : memref<128xi32, #tpu.memory_space<hbm>>) dst(%dma_wait3A_75 : memref<128xi32, #tpu.memory_space<vmem>>)
    %dma_start3A_77 = arith.constant 256 : i32
    %dma_start3A_78 = tpu.memref_slice %arg8[%dma_start3A_77] : memref<512xf32, #tpu.memory_space<vmem>> -> memref<128xf32, #tpu.memory_space<vmem>>
    %dma_start3A_79 = arith.constant 256 : i32
    %dma_start3A_80 = tpu.memref_slice %arg7[%dma_start3A_79] : memref<512xi32, #tpu.memory_space<vmem>> -> memref<128xi32, #tpu.memory_space<vmem>>
    %dma_start3A_81 = arith.constant 0 : i32
    %dma_start3A_82 = tpu.memref_slice %arg3[%dma_start3A_81] : memref<1000000xf32, #tpu.memory_space<hbm>> -> memref<1000000xf32, #tpu.memory_space<hbm>>
    tpu.enqueue_indirect_dma source(%dma_start3A_82 : memref<1000000xf32, #tpu.memory_space<hbm>>) target(%dma_start3A_78 : memref<128xf32, #tpu.memory_space<vmem>>) offsets(%dma_start3A_80 : memref<128xi32, #tpu.memory_space<vmem>>) semaphore(%arg17 : memref<!tpu.dma_semaphore, #tpu.memory_space<semaphore_mem>>)
    %dma_start3A_83 = arith.constant 256 : i32
    %dma_start3A_84 = tpu.memref_slice %arg9[%dma_start3A_83] : memref<512xf32, #tpu.memory_space<vmem>> -> memref<128xf32, #tpu.memory_space<vmem>>
    %dma_start3A_85 = arith.constant 256 : i32
    %dma_start3A_86 = tpu.memref_slice %arg7[%dma_start3A_85] : memref<512xi32, #tpu.memory_space<vmem>> -> memref<128xi32, #tpu.memory_space<vmem>>
    %dma_start3A_87 = arith.constant 0 : i32
    %dma_start3A_88 = tpu.memref_slice %arg4[%dma_start3A_87] : memref<1000000xf32, #tpu.memory_space<hbm>> -> memref<1000000xf32, #tpu.memory_space<hbm>>
    tpu.enqueue_indirect_dma source(%dma_start3A_88 : memref<1000000xf32, #tpu.memory_space<hbm>>) target(%dma_start3A_84 : memref<128xf32, #tpu.memory_space<vmem>>) offsets(%dma_start3A_86 : memref<128xi32, #tpu.memory_space<vmem>>) semaphore(%arg17 : memref<!tpu.dma_semaphore, #tpu.memory_space<semaphore_mem>>)
    %dma_wait3A_89 = arith.constant 384 : i32
    %dma_wait3A_90 = tpu.memref_slice %arg7[%dma_wait3A_89] : memref<512xi32, #tpu.memory_space<vmem>> -> memref<128xi32, #tpu.memory_space<vmem>>
    %dma_wait3A_91 = tpu.memref_slice %arg2[%add3A_27] : memref<16384xi32, #tpu.memory_space<hbm>> -> memref<128xi32, #tpu.memory_space<hbm>>
    %dma_wait3A_92 = arith.constant 384 : i32
    %dma_wait3A_93 = tpu.memref_slice %arg7[%dma_wait3A_92] : memref<512xi32, #tpu.memory_space<vmem>> -> memref<128xi32, #tpu.memory_space<vmem>>
    %dma_wait3A_94 = tpu.memref_slice %arg2[%add3A_27] : memref<16384xi32, #tpu.memory_space<hbm>> -> memref<128xi32, #tpu.memory_space<hbm>>
    tpu.wait_dma2 semaphore(%arg12 : memref<!tpu.dma_semaphore, #tpu.memory_space<semaphore_mem>>) src(%dma_wait3A_94 : memref<128xi32, #tpu.memory_space<hbm>>) dst(%dma_wait3A_93 : memref<128xi32, #tpu.memory_space<vmem>>)
    %dma_start3A_95 = arith.constant 384 : i32
    %dma_start3A_96 = tpu.memref_slice %arg8[%dma_start3A_95] : memref<512xf32, #tpu.memory_space<vmem>> -> memref<128xf32, #tpu.memory_space<vmem>>
    %dma_start3A_97 = arith.constant 384 : i32
    %dma_start3A_98 = tpu.memref_slice %arg7[%dma_start3A_97] : memref<512xi32, #tpu.memory_space<vmem>> -> memref<128xi32, #tpu.memory_space<vmem>>
    %dma_start3A_99 = arith.constant 0 : i32
    %dma_start3A_100 = tpu.memref_slice %arg3[%dma_start3A_99] : memref<1000000xf32, #tpu.memory_space<hbm>> -> memref<1000000xf32, #tpu.memory_space<hbm>>
    tpu.enqueue_indirect_dma source(%dma_start3A_100 : memref<1000000xf32, #tpu.memory_space<hbm>>) target(%dma_start3A_96 : memref<128xf32, #tpu.memory_space<vmem>>) offsets(%dma_start3A_98 : memref<128xi32, #tpu.memory_space<vmem>>) semaphore(%arg18 : memref<!tpu.dma_semaphore, #tpu.memory_space<semaphore_mem>>)
    %dma_start3A_101 = arith.constant 384 : i32
    %dma_start3A_102 = tpu.memref_slice %arg9[%dma_start3A_101] : memref<512xf32, #tpu.memory_space<vmem>> -> memref<128xf32, #tpu.memory_space<vmem>>
    %dma_start3A_103 = arith.constant 384 : i32
    %dma_start3A_104 = tpu.memref_slice %arg7[%dma_start3A_103] : memref<512xi32, #tpu.memory_space<vmem>> -> memref<128xi32, #tpu.memory_space<vmem>>
    %dma_start3A_105 = arith.constant 0 : i32
    %dma_start3A_106 = tpu.memref_slice %arg4[%dma_start3A_105] : memref<1000000xf32, #tpu.memory_space<hbm>> -> memref<1000000xf32, #tpu.memory_space<hbm>>
    tpu.enqueue_indirect_dma source(%dma_start3A_106 : memref<1000000xf32, #tpu.memory_space<hbm>>) target(%dma_start3A_102 : memref<128xf32, #tpu.memory_space<vmem>>) offsets(%dma_start3A_104 : memref<128xi32, #tpu.memory_space<vmem>>) semaphore(%arg18 : memref<!tpu.dma_semaphore, #tpu.memory_space<semaphore_mem>>)
    %dma_wait3A_107 = tpu.memref_slice %arg5[%mul3A_2] : memref<16384xf32, #tpu.memory_space<hbm>> -> memref<512xf32, #tpu.memory_space<hbm>>
    %dma_wait3A_108 = tpu.memref_slice %arg5[%mul3A_2] : memref<16384xf32, #tpu.memory_space<hbm>> -> memref<512xf32, #tpu.memory_space<hbm>>
    tpu.wait_dma2 semaphore(%arg13 : memref<!tpu.dma_semaphore, #tpu.memory_space<semaphore_mem>>) src(%dma_wait3A_108 : memref<512xf32, #tpu.memory_space<hbm>>) dst(%arg10 : memref<512xf32, #tpu.memory_space<vmem>>)
    %dma_wait3A_109 = arith.constant 0 : i32
    %dma_wait3A_110 = tpu.memref_slice %arg8[%dma_wait3A_109] : memref<512xf32, #tpu.memory_space<vmem>> -> memref<128xf32, #tpu.memory_space<vmem>>
    %dma_wait3A_111 = arith.constant 0 : i32
    %dma_wait3A_112 = tpu.memref_slice %arg7[%dma_wait3A_111] : memref<512xi32, #tpu.memory_space<vmem>> -> memref<128xi32, #tpu.memory_space<vmem>>
    %dma_wait3A_113 = arith.constant 0 : i32
    %dma_wait3A_114 = tpu.memref_slice %arg3[%dma_wait3A_113] : memref<1000000xf32, #tpu.memory_space<hbm>> -> memref<1000000xf32, #tpu.memory_space<hbm>>
    tpu.wait_indirect_dma semaphore(%arg15 : memref<!tpu.dma_semaphore, #tpu.memory_space<semaphore_mem>>) src(%dma_wait3A_114 : memref<1000000xf32, #tpu.memory_space<hbm>>) dst(%dma_wait3A_110 : memref<128xf32, #tpu.memory_space<vmem>>)
    %dma_wait3A_115 = arith.constant 0 : i32
    %dma_wait3A_116 = tpu.memref_slice %arg9[%dma_wait3A_115] : memref<512xf32, #tpu.memory_space<vmem>> -> memref<128xf32, #tpu.memory_space<vmem>>
    %dma_wait3A_117 = arith.constant 0 : i32
    %dma_wait3A_118 = tpu.memref_slice %arg7[%dma_wait3A_117] : memref<512xi32, #tpu.memory_space<vmem>> -> memref<128xi32, #tpu.memory_space<vmem>>
    %dma_wait3A_119 = arith.constant 0 : i32
    %dma_wait3A_120 = tpu.memref_slice %arg4[%dma_wait3A_119] : memref<1000000xf32, #tpu.memory_space<hbm>> -> memref<1000000xf32, #tpu.memory_space<hbm>>
    tpu.wait_indirect_dma semaphore(%arg15 : memref<!tpu.dma_semaphore, #tpu.memory_space<semaphore_mem>>) src(%dma_wait3A_120 : memref<1000000xf32, #tpu.memory_space<hbm>>) dst(%dma_wait3A_116 : memref<128xf32, #tpu.memory_space<vmem>>)
    %get3A = arith.constant 0 : index
    %get3A_121 = tpu.vector_load %arg8[%get3A] {strides = array<i32>} : memref<512xf32, #tpu.memory_space<vmem>>, vector<16xf32>,
    %get3A_122 = vector.shape_cast %get3A_121 : vector<16xf32> to vector<16xf32>
    %get3A_123 = arith.constant 0 : index
    %get3A_124 = tpu.vector_load %arg9[%get3A_123] {strides = array<i32>} : memref<512xf32, #tpu.memory_space<vmem>>, vector<16xf32>,
    %get3A_125 = vector.shape_cast %get3A_124 : vector<16xf32> to vector<16xf32>
    %exp3A = math.exp %get3A_125 : vector<16xf32>
    %get3A_126 = arith.constant 0 : index
    %get3A_127 = tpu.vector_load %arg10[%get3A_126] {strides = array<i32>} : memref<512xf32, #tpu.memory_space<vmem>>, vector<16xf32>,
    %get3A_128 = vector.shape_cast %get3A_127 : vector<16xf32> to vector<16xf32>
    %mul3A_129 = arith.mulf %exp3A, %get3A_128 : vector<16xf32>
    %add3A_130 = arith.addf %get3A_122, %mul3A_129 : vector<16xf32>
    %max3A = arith.constant 9.99999997E-7 : f32
    %max3A_131 = vector.broadcast %max3A : f32 to vector<16xf32>
    %max3A_132 = arith.maximumf %add3A_130, %max3A_131 : vector<16xf32>
    %swap3A = arith.constant 0 : index
    %swap3A_133 = tpu.vector_load %arg11[%swap3A] {strides = array<i32>} : memref<512xf32, #tpu.memory_space<vmem>>, vector<16xf32>,
    %swap3A_134 = vector.shape_cast %swap3A_133 : vector<16xf32> to vector<16xf32>
    %swap3A_135 = vector.shape_cast %max3A_132 : vector<16xf32> to vector<16xf32>
    tpu.vector_store %arg11[%swap3A], %swap3A_135 {strides = array<i32>} : memref<512xf32, #tpu.memory_space<vmem>>, vector<16xf32>,
    %get3A_136 = arith.constant 16 : index
    %get3A_137 = tpu.vector_load %arg8[%get3A_136] {strides = array<i32>} : memref<512xf32, #tpu.memory_space<vmem>>, vector<16xf32>,
    %get3A_138 = vector.shape_cast %get3A_137 : vector<16xf32> to vector<16xf32>
    %get3A_139 = arith.constant 16 : index
    %get3A_140 = tpu.vector_load %arg9[%get3A_139] {strides = array<i32>} : memref<512xf32, #tpu.memory_space<vmem>>, vector<16xf32>,
    %get3A_141 = vector.shape_cast %get3A_140 : vector<16xf32> to vector<16xf32>
    %exp3A_142 = math.exp %get3A_141 : vector<16xf32>
    %get3A_143 = arith.constant 16 : index
    %get3A_144 = tpu.vector_load %arg10[%get3A_143] {strides = array<i32>} : memref<512xf32, #tpu.memory_space<vmem>>, vector<16xf32>,
    %get3A_145 = vector.shape_cast %get3A_144 : vector<16xf32> to vector<16xf32>
    %mul3A_146 = arith.mulf %exp3A_142, %get3A_145 : vector<16xf32>
    %add3A_147 = arith.addf %get3A_138, %mul3A_146 : vector<16xf32>
    %max3A_148 = arith.constant 9.99999997E-7 : f32
    %max3A_149 = vector.broadcast %max3A_148 : f32 to vector<16xf32>
    %max3A_150 = arith.maximumf %add3A_147, %max3A_149 : vector<16xf32>
    %swap3A_151 = arith.constant 16 : index
    %swap3A_152 = tpu.vector_load %arg11[%swap3A_151] {strides = array<i32>} : memref<512xf32, #tpu.memory_space<vmem>>, vector<16xf32>,
    %swap3A_153 = vector.shape_cast %swap3A_152 : vector<16xf32> to vector<16xf32>
    %swap3A_154 = vector.shape_cast %max3A_150 : vector<16xf32> to vector<16xf32>
    tpu.vector_store %arg11[%swap3A_151], %swap3A_154 {strides = array<i32>} : memref<512xf32, #tpu.memory_space<vmem>>, vector<16xf32>,
    %get3A_155 = arith.constant 32 : index
    %get3A_156 = tpu.vector_load %arg8[%get3A_155] {strides = array<i32>} : memref<512xf32, #tpu.memory_space<vmem>>, vector<16xf32>,
    %get3A_157 = vector.shape_cast %get3A_156 : vector<16xf32> to vector<16xf32>
    %get3A_158 = arith.constant 32 : index
    %get3A_159 = tpu.vector_load %arg9[%get3A_158] {strides = array<i32>} : memref<512xf32, #tpu.memory_space<vmem>>, vector<16xf32>,
    %get3A_160 = vector.shape_cast %get3A_159 : vector<16xf32> to vector<16xf32>
    %exp3A_161 = math.exp %get3A_160 : vector<16xf32>
    %get3A_162 = arith.constant 32 : index
    %get3A_163 = tpu.vector_load %arg10[%get3A_162] {strides = array<i32>} : memref<512xf32, #tpu.memory_space<vmem>>, vector<16xf32>,
    %get3A_164 = vector.shape_cast %get3A_163 : vector<16xf32> to vector<16xf32>
    %mul3A_165 = arith.mulf %exp3A_161, %get3A_164 : vector<16xf32>
    %add3A_166 = arith.addf %get3A_157, %mul3A_165 : vector<16xf32>
    %max3A_167 = arith.constant 9.99999997E-7 : f32
    %max3A_168 = vector.broadcast %max3A_167 : f32 to vector<16xf32>
    %max3A_169 = arith.maximumf %add3A_166, %max3A_168 : vector<16xf32>
    %swap3A_170 = arith.constant 32 : index
    %swap3A_171 = tpu.vector_load %arg11[%swap3A_170] {strides = array<i32>} : memref<512xf32, #tpu.memory_space<vmem>>, vector<16xf32>,
    %swap3A_172 = vector.shape_cast %swap3A_171 : vector<16xf32> to vector<16xf32>
    %swap3A_173 = vector.shape_cast %max3A_169 : vector<16xf32> to vector<16xf32>
    tpu.vector_store %arg11[%swap3A_170], %swap3A_173 {strides = array<i32>} : memref<512xf32, #tpu.memory_space<vmem>>, vector<16xf32>,
    %get3A_174 = arith.constant 48 : index
    %get3A_175 = tpu.vector_load %arg8[%get3A_174] {strides = array<i32>} : memref<512xf32, #tpu.memory_space<vmem>>, vector<16xf32>,
    %get3A_176 = vector.shape_cast %get3A_175 : vector<16xf32> to vector<16xf32>
    %get3A_177 = arith.constant 48 : index
    %get3A_178 = tpu.vector_load %arg9[%get3A_177] {strides = array<i32>} : memref<512xf32, #tpu.memory_space<vmem>>, vector<16xf32>,
    %get3A_179 = vector.shape_cast %get3A_178 : vector<16xf32> to vector<16xf32>
    %exp3A_180 = math.exp %get3A_179 : vector<16xf32>
    %get3A_181 = arith.constant 48 : index
    %get3A_182 = tpu.vector_load %arg10[%get3A_181] {strides = array<i32>} : memref<512xf32, #tpu.memory_space<vmem>>, vector<16xf32>,
    %get3A_183 = vector.shape_cast %get3A_182 : vector<16xf32> to vector<16xf32>
    %mul3A_184 = arith.mulf %exp3A_180, %get3A_183 : vector<16xf32>
    %add3A_185 = arith.addf %get3A_176, %mul3A_184 : vector<16xf32>
    %max3A_186 = arith.constant 9.99999997E-7 : f32
    %max3A_187 = vector.broadcast %max3A_186 : f32 to vector<16xf32>
    %max3A_188 = arith.maximumf %add3A_185, %max3A_187 : vector<16xf32>
    %swap3A_189 = arith.constant 48 : index
    %swap3A_190 = tpu.vector_load %arg11[%swap3A_189] {strides = array<i32>} : memref<512xf32, #tpu.memory_space<vmem>>, vector<16xf32>,
    %swap3A_191 = vector.shape_cast %swap3A_190 : vector<16xf32> to vector<16xf32>
    %swap3A_192 = vector.shape_cast %max3A_188 : vector<16xf32> to vector<16xf32>
    tpu.vector_store %arg11[%swap3A_189], %swap3A_192 {strides = array<i32>} : memref<512xf32, #tpu.memory_space<vmem>>, vector<16xf32>,
    %get3A_193 = arith.constant 64 : index
    %get3A_194 = tpu.vector_load %arg8[%get3A_193] {strides = array<i32>} : memref<512xf32, #tpu.memory_space<vmem>>, vector<16xf32>,
    %get3A_195 = vector.shape_cast %get3A_194 : vector<16xf32> to vector<16xf32>
    %get3A_196 = arith.constant 64 : index
    %get3A_197 = tpu.vector_load %arg9[%get3A_196] {strides = array<i32>} : memref<512xf32, #tpu.memory_space<vmem>>, vector<16xf32>,
    %get3A_198 = vector.shape_cast %get3A_197 : vector<16xf32> to vector<16xf32>
    %exp3A_199 = math.exp %get3A_198 : vector<16xf32>
    %get3A_200 = arith.constant 64 : index
    %get3A_201 = tpu.vector_load %arg10[%get3A_200] {strides = array<i32>} : memref<512xf32, #tpu.memory_space<vmem>>, vector<16xf32>,
    %get3A_202 = vector.shape_cast %get3A_201 : vector<16xf32> to vector<16xf32>
    %mul3A_203 = arith.mulf %exp3A_199, %get3A_202 : vector<16xf32>
    %add3A_204 = arith.addf %get3A_195, %mul3A_203 : vector<16xf32>
    %max3A_205 = arith.constant 9.99999997E-7 : f32
    %max3A_206 = vector.broadcast %max3A_205 : f32 to vector<16xf32>
    %max3A_207 = arith.maximumf %add3A_204, %max3A_206 : vector<16xf32>
    %swap3A_208 = arith.constant 64 : index
    %swap3A_209 = tpu.vector_load %arg11[%swap3A_208] {strides = array<i32>} : memref<512xf32, #tpu.memory_space<vmem>>, vector<16xf32>,
    %swap3A_210 = vector.shape_cast %swap3A_209 : vector<16xf32> to vector<16xf32>
    %swap3A_211 = vector.shape_cast %max3A_207 : vector<16xf32> to vector<16xf32>
    tpu.vector_store %arg11[%swap3A_208], %swap3A_211 {strides = array<i32>} : memref<512xf32, #tpu.memory_space<vmem>>, vector<16xf32>,
    %get3A_212 = arith.constant 80 : index
    %get3A_213 = tpu.vector_load %arg8[%get3A_212] {strides = array<i32>} : memref<512xf32, #tpu.memory_space<vmem>>, vector<16xf32>,
    %get3A_214 = vector.shape_cast %get3A_213 : vector<16xf32> to vector<16xf32>
    %get3A_215 = arith.constant 80 : index
    %get3A_216 = tpu.vector_load %arg9[%get3A_215] {strides = array<i32>} : memref<512xf32, #tpu.memory_space<vmem>>, vector<16xf32>,
    %get3A_217 = vector.shape_cast %get3A_216 : vector<16xf32> to vector<16xf32>
    %exp3A_218 = math.exp %get3A_217 : vector<16xf32>
    %get3A_219 = arith.constant 80 : index
    %get3A_220 = tpu.vector_load %arg10[%get3A_219] {strides = array<i32>} : memref<512xf32, #tpu.memory_space<vmem>>, vector<16xf32>,
    %get3A_221 = vector.shape_cast %get3A_220 : vector<16xf32> to vector<16xf32>
    %mul3A_222 = arith.mulf %exp3A_218, %get3A_221 : vector<16xf32>
    %add3A_223 = arith.addf %get3A_214, %mul3A_222 : vector<16xf32>
    %max3A_224 = arith.constant 9.99999997E-7 : f32
    %max3A_225 = vector.broadcast %max3A_224 : f32 to vector<16xf32>
    %max3A_226 = arith.maximumf %add3A_223, %max3A_225 : vector<16xf32>
    %swap3A_227 = arith.constant 80 : index
    %swap3A_228 = tpu.vector_load %arg11[%swap3A_227] {strides = array<i32>} : memref<512xf32, #tpu.memory_space<vmem>>, vector<16xf32>,
    %swap3A_229 = vector.shape_cast %swap3A_228 : vector<16xf32> to vector<16xf32>
    %swap3A_230 = vector.shape_cast %max3A_226 : vector<16xf32> to vector<16xf32>
    tpu.vector_store %arg11[%swap3A_227], %swap3A_230 {strides = array<i32>} : memref<512xf32, #tpu.memory_space<vmem>>, vector<16xf32>,
    %get3A_231 = arith.constant 96 : index
    %get3A_232 = tpu.vector_load %arg8[%get3A_231] {strides = array<i32>} : memref<512xf32, #tpu.memory_space<vmem>>, vector<16xf32>,
    %get3A_233 = vector.shape_cast %get3A_232 : vector<16xf32> to vector<16xf32>
    %get3A_234 = arith.constant 96 : index
    %get3A_235 = tpu.vector_load %arg9[%get3A_234] {strides = array<i32>} : memref<512xf32, #tpu.memory_space<vmem>>, vector<16xf32>,
    %get3A_236 = vector.shape_cast %get3A_235 : vector<16xf32> to vector<16xf32>
    %exp3A_237 = math.exp %get3A_236 : vector<16xf32>
    %get3A_238 = arith.constant 96 : index
    %get3A_239 = tpu.vector_load %arg10[%get3A_238] {strides = array<i32>} : memref<512xf32, #tpu.memory_space<vmem>>, vector<16xf32>,
    %get3A_240 = vector.shape_cast %get3A_239 : vector<16xf32> to vector<16xf32>
    %mul3A_241 = arith.mulf %exp3A_237, %get3A_240 : vector<16xf32>
    %add3A_242 = arith.addf %get3A_233, %mul3A_241 : vector<16xf32>
    %max3A_243 = arith.constant 9.99999997E-7 : f32
    %max3A_244 = vector.broadcast %max3A_243 : f32 to vector<16xf32>
    %max3A_245 = arith.maximumf %add3A_242, %max3A_244 : vector<16xf32>
    %swap3A_246 = arith.constant 96 : index
    %swap3A_247 = tpu.vector_load %arg11[%swap3A_246] {strides = array<i32>} : memref<512xf32, #tpu.memory_space<vmem>>, vector<16xf32>,
    %swap3A_248 = vector.shape_cast %swap3A_247 : vector<16xf32> to vector<16xf32>
    %swap3A_249 = vector.shape_cast %max3A_245 : vector<16xf32> to vector<16xf32>
    tpu.vector_store %arg11[%swap3A_246], %swap3A_249 {strides = array<i32>} : memref<512xf32, #tpu.memory_space<vmem>>, vector<16xf32>,
    %get3A_250 = arith.constant 112 : index
    %get3A_251 = tpu.vector_load %arg8[%get3A_250] {strides = array<i32>} : memref<512xf32, #tpu.memory_space<vmem>>, vector<16xf32>,
    %get3A_252 = vector.shape_cast %get3A_251 : vector<16xf32> to vector<16xf32>
    %get3A_253 = arith.constant 112 : index
    %get3A_254 = tpu.vector_load %arg9[%get3A_253] {strides = array<i32>} : memref<512xf32, #tpu.memory_space<vmem>>, vector<16xf32>,
    %get3A_255 = vector.shape_cast %get3A_254 : vector<16xf32> to vector<16xf32>
    %exp3A_256 = math.exp %get3A_255 : vector<16xf32>
    %get3A_257 = arith.constant 112 : index
    %get3A_258 = tpu.vector_load %arg10[%get3A_257] {strides = array<i32>} : memref<512xf32, #tpu.memory_space<vmem>>, vector<16xf32>,
    %get3A_259 = vector.shape_cast %get3A_258 : vector<16xf32> to vector<16xf32>
    %mul3A_260 = arith.mulf %exp3A_256, %get3A_259 : vector<16xf32>
    %add3A_261 = arith.addf %get3A_252, %mul3A_260 : vector<16xf32>
    %max3A_262 = arith.constant 9.99999997E-7 : f32
    %max3A_263 = vector.broadcast %max3A_262 : f32 to vector<16xf32>
    %max3A_264 = arith.maximumf %add3A_261, %max3A_263 : vector<16xf32>
    %swap3A_265 = arith.constant 112 : index
    %swap3A_266 = tpu.vector_load %arg11[%swap3A_265] {strides = array<i32>} : memref<512xf32, #tpu.memory_space<vmem>>, vector<16xf32>,
    %swap3A_267 = vector.shape_cast %swap3A_266 : vector<16xf32> to vector<16xf32>
    %swap3A_268 = vector.shape_cast %max3A_264 : vector<16xf32> to vector<16xf32>
    tpu.vector_store %arg11[%swap3A_265], %swap3A_268 {strides = array<i32>} : memref<512xf32, #tpu.memory_space<vmem>>, vector<16xf32>,
    %add3A_269 = arith.constant 0 : i32
    %add3A_270 = arith.addi %mul3A_2, %add3A_269 : i32
    %dma_start3A_271 = arith.constant 0 : i32
    %dma_start3A_272 = tpu.memref_slice %arg11[%dma_start3A_271] : memref<512xf32, #tpu.memory_space<vmem>> -> memref<128xf32, #tpu.memory_space<vmem>>
    %dma_start3A_273 = tpu.memref_slice %arg6[%add3A_270] : memref<16384xf32, #tpu.memory_space<hbm>> -> memref<128xf32, #tpu.memory_space<hbm>>
    %dma_start3A_274 = tpu.memref_slice %arg6[%add3A_270] : memref<16384xf32, #tpu.memory_space<hbm>> -> memref<128xf32, #tpu.memory_space<hbm>>
    %dma_start3A_275 = arith.constant 0 : i32
    %dma_start3A_276 = tpu.memref_slice %arg11[%dma_start3A_275] : memref<512xf32, #tpu.memory_space<vmem>> -> memref<128xf32, #tpu.memory_space<vmem>>
    tpu.enqueue_dma source(%dma_start3A_276 : memref<128xf32, #tpu.memory_space<vmem>>) target(%dma_start3A_274 : memref<128xf32, #tpu.memory_space<hbm>>) target_semaphore(%arg14 : memref<!tpu.dma_semaphore, #tpu.memory_space<semaphore_mem>>)
    %dma_wait3A_277 = arith.constant 128 : i32
    %dma_wait3A_278 = tpu.memref_slice %arg8[%dma_wait3A_277] : memref<512xf32, #tpu.memory_space<vmem>> -> memref<128xf32, #tpu.memory_space<vmem>>
    %dma_wait3A_279 = arith.constant 128 : i32
    %dma_wait3A_280 = tpu.memref_slice %arg7[%dma_wait3A_279] : memref<512xi32, #tpu.memory_space<vmem>> -> memref<128xi32, #tpu.memory_space<vmem>>
    %dma_wait3A_281 = arith.constant 0 : i32
    %dma_wait3A_282 = tpu.memref_slice %arg3[%dma_wait3A_281] : memref<1000000xf32, #tpu.memory_space<hbm>> -> memref<1000000xf32, #tpu.memory_space<hbm>>
    tpu.wait_indirect_dma semaphore(%arg16 : memref<!tpu.dma_semaphore, #tpu.memory_space<semaphore_mem>>) src(%dma_wait3A_282 : memref<1000000xf32, #tpu.memory_space<hbm>>) dst(%dma_wait3A_278 : memref<128xf32, #tpu.memory_space<vmem>>)
    %dma_wait3A_283 = arith.constant 128 : i32
    %dma_wait3A_284 = tpu.memref_slice %arg9[%dma_wait3A_283] : memref<512xf32, #tpu.memory_space<vmem>> -> memref<128xf32, #tpu.memory_space<vmem>>
    %dma_wait3A_285 = arith.constant 128 : i32
    %dma_wait3A_286 = tpu.memref_slice %arg7[%dma_wait3A_285] : memref<512xi32, #tpu.memory_space<vmem>> -> memref<128xi32, #tpu.memory_space<vmem>>
    %dma_wait3A_287 = arith.constant 0 : i32
    %dma_wait3A_288 = tpu.memref_slice %arg4[%dma_wait3A_287] : memref<1000000xf32, #tpu.memory_space<hbm>> -> memref<1000000xf32, #tpu.memory_space<hbm>>
    tpu.wait_indirect_dma semaphore(%arg16 : memref<!tpu.dma_semaphore, #tpu.memory_space<semaphore_mem>>) src(%dma_wait3A_288 : memref<1000000xf32, #tpu.memory_space<hbm>>) dst(%dma_wait3A_284 : memref<128xf32, #tpu.memory_space<vmem>>)
    %get3A_289 = arith.constant 128 : index
    %get3A_290 = tpu.vector_load %arg8[%get3A_289] {strides = array<i32>} : memref<512xf32, #tpu.memory_space<vmem>>, vector<16xf32>,
    %get3A_291 = vector.shape_cast %get3A_290 : vector<16xf32> to vector<16xf32>
    %get3A_292 = arith.constant 128 : index
    %get3A_293 = tpu.vector_load %arg9[%get3A_292] {strides = array<i32>} : memref<512xf32, #tpu.memory_space<vmem>>, vector<16xf32>,
    %get3A_294 = vector.shape_cast %get3A_293 : vector<16xf32> to vector<16xf32>
    %exp3A_295 = math.exp %get3A_294 : vector<16xf32>
    %get3A_296 = arith.constant 128 : index
    %get3A_297 = tpu.vector_load %arg10[%get3A_296] {strides = array<i32>} : memref<512xf32, #tpu.memory_space<vmem>>, vector<16xf32>,
    %get3A_298 = vector.shape_cast %get3A_297 : vector<16xf32> to vector<16xf32>
    %mul3A_299 = arith.mulf %exp3A_295, %get3A_298 : vector<16xf32>
    %add3A_300 = arith.addf %get3A_291, %mul3A_299 : vector<16xf32>
    %max3A_301 = arith.constant 9.99999997E-7 : f32
    %max3A_302 = vector.broadcast %max3A_301 : f32 to vector<16xf32>
    %max3A_303 = arith.maximumf %add3A_300, %max3A_302 : vector<16xf32>
    %swap3A_304 = arith.constant 128 : index
    %swap3A_305 = tpu.vector_load %arg11[%swap3A_304] {strides = array<i32>} : memref<512xf32, #tpu.memory_space<vmem>>, vector<16xf32>,
    %swap3A_306 = vector.shape_cast %swap3A_305 : vector<16xf32> to vector<16xf32>
    %swap3A_307 = vector.shape_cast %max3A_303 : vector<16xf32> to vector<16xf32>
    tpu.vector_store %arg11[%swap3A_304], %swap3A_307 {strides = array<i32>} : memref<512xf32, #tpu.memory_space<vmem>>, vector<16xf32>,
    %get3A_308 = arith.constant 144 : index
    %get3A_309 = tpu.vector_load %arg8[%get3A_308] {strides = array<i32>} : memref<512xf32, #tpu.memory_space<vmem>>, vector<16xf32>,
    %get3A_310 = vector.shape_cast %get3A_309 : vector<16xf32> to vector<16xf32>
    %get3A_311 = arith.constant 144 : index
    %get3A_312 = tpu.vector_load %arg9[%get3A_311] {strides = array<i32>} : memref<512xf32, #tpu.memory_space<vmem>>, vector<16xf32>,
    %get3A_313 = vector.shape_cast %get3A_312 : vector<16xf32> to vector<16xf32>
    %exp3A_314 = math.exp %get3A_313 : vector<16xf32>
    %get3A_315 = arith.constant 144 : index
    %get3A_316 = tpu.vector_load %arg10[%get3A_315] {strides = array<i32>} : memref<512xf32, #tpu.memory_space<vmem>>, vector<16xf32>,
    %get3A_317 = vector.shape_cast %get3A_316 : vector<16xf32> to vector<16xf32>
    %mul3A_318 = arith.mulf %exp3A_314, %get3A_317 : vector<16xf32>
    %add3A_319 = arith.addf %get3A_310, %mul3A_318 : vector<16xf32>
    %max3A_320 = arith.constant 9.99999997E-7 : f32
    %max3A_321 = vector.broadcast %max3A_320 : f32 to vector<16xf32>
    %max3A_322 = arith.maximumf %add3A_319, %max3A_321 : vector<16xf32>
    %swap3A_323 = arith.constant 144 : index
    %swap3A_324 = tpu.vector_load %arg11[%swap3A_323] {strides = array<i32>} : memref<512xf32, #tpu.memory_space<vmem>>, vector<16xf32>,
    %swap3A_325 = vector.shape_cast %swap3A_324 : vector<16xf32> to vector<16xf32>
    %swap3A_326 = vector.shape_cast %max3A_322 : vector<16xf32> to vector<16xf32>
    tpu.vector_store %arg11[%swap3A_323], %swap3A_326 {strides = array<i32>} : memref<512xf32, #tpu.memory_space<vmem>>, vector<16xf32>,
    %get3A_327 = arith.constant 160 : index
    %get3A_328 = tpu.vector_load %arg8[%get3A_327] {strides = array<i32>} : memref<512xf32, #tpu.memory_space<vmem>>, vector<16xf32>,
    %get3A_329 = vector.shape_cast %get3A_328 : vector<16xf32> to vector<16xf32>
    %get3A_330 = arith.constant 160 : index
    %get3A_331 = tpu.vector_load %arg9[%get3A_330] {strides = array<i32>} : memref<512xf32, #tpu.memory_space<vmem>>, vector<16xf32>,
    %get3A_332 = vector.shape_cast %get3A_331 : vector<16xf32> to vector<16xf32>
    %exp3A_333 = math.exp %get3A_332 : vector<16xf32>
    %get3A_334 = arith.constant 160 : index
    %get3A_335 = tpu.vector_load %arg10[%get3A_334] {strides = array<i32>} : memref<512xf32, #tpu.memory_space<vmem>>, vector<16xf32>,
    %get3A_336 = vector.shape_cast %get3A_335 : vector<16xf32> to vector<16xf32>
    %mul3A_337 = arith.mulf %exp3A_333, %get3A_336 : vector<16xf32>
    %add3A_338 = arith.addf %get3A_329, %mul3A_337 : vector<16xf32>
    %max3A_339 = arith.constant 9.99999997E-7 : f32
    %max3A_340 = vector.broadcast %max3A_339 : f32 to vector<16xf32>
    %max3A_341 = arith.maximumf %add3A_338, %max3A_340 : vector<16xf32>
    %swap3A_342 = arith.constant 160 : index
    %swap3A_343 = tpu.vector_load %arg11[%swap3A_342] {strides = array<i32>} : memref<512xf32, #tpu.memory_space<vmem>>, vector<16xf32>,
    %swap3A_344 = vector.shape_cast %swap3A_343 : vector<16xf32> to vector<16xf32>
    %swap3A_345 = vector.shape_cast %max3A_341 : vector<16xf32> to vector<16xf32>
    tpu.vector_store %arg11[%swap3A_342], %swap3A_345 {strides = array<i32>} : memref<512xf32, #tpu.memory_space<vmem>>, vector<16xf32>,
    %get3A_346 = arith.constant 176 : index
    %get3A_347 = tpu.vector_load %arg8[%get3A_346] {strides = array<i32>} : memref<512xf32, #tpu.memory_space<vmem>>, vector<16xf32>,
    %get3A_348 = vector.shape_cast %get3A_347 : vector<16xf32> to vector<16xf32>
    %get3A_349 = arith.constant 176 : index
    %get3A_350 = tpu.vector_load %arg9[%get3A_349] {strides = array<i32>} : memref<512xf32, #tpu.memory_space<vmem>>, vector<16xf32>,
    %get3A_351 = vector.shape_cast %get3A_350 : vector<16xf32> to vector<16xf32>
    %exp3A_352 = math.exp %get3A_351 : vector<16xf32>
    %get3A_353 = arith.constant 176 : index
    %get3A_354 = tpu.vector_load %arg10[%get3A_353] {strides = array<i32>} : memref<512xf32, #tpu.memory_space<vmem>>, vector<16xf32>,
    %get3A_355 = vector.shape_cast %get3A_354 : vector<16xf32> to vector<16xf32>
    %mul3A_356 = arith.mulf %exp3A_352, %get3A_355 : vector<16xf32>
    %add3A_357 = arith.addf %get3A_348, %mul3A_356 : vector<16xf32>
    %max3A_358 = arith.constant 9.99999997E-7 : f32
    %max3A_359 = vector.broadcast %max3A_358 : f32 to vector<16xf32>
    %max3A_360 = arith.maximumf %add3A_357, %max3A_359 : vector<16xf32>
    %swap3A_361 = arith.constant 176 : index
    %swap3A_362 = tpu.vector_load %arg11[%swap3A_361] {strides = array<i32>} : memref<512xf32, #tpu.memory_space<vmem>>, vector<16xf32>,
    %swap3A_363 = vector.shape_cast %swap3A_362 : vector<16xf32> to vector<16xf32>
    %swap3A_364 = vector.shape_cast %max3A_360 : vector<16xf32> to vector<16xf32>
    tpu.vector_store %arg11[%swap3A_361], %swap3A_364 {strides = array<i32>} : memref<512xf32, #tpu.memory_space<vmem>>, vector<16xf32>,
    %get3A_365 = arith.constant 192 : index
    %get3A_366 = tpu.vector_load %arg8[%get3A_365] {strides = array<i32>} : memref<512xf32, #tpu.memory_space<vmem>>, vector<16xf32>,
    %get3A_367 = vector.shape_cast %get3A_366 : vector<16xf32> to vector<16xf32>
    %get3A_368 = arith.constant 192 : index
    %get3A_369 = tpu.vector_load %arg9[%get3A_368] {strides = array<i32>} : memref<512xf32, #tpu.memory_space<vmem>>, vector<16xf32>,
    %get3A_370 = vector.shape_cast %get3A_369 : vector<16xf32> to vector<16xf32>
    %exp3A_371 = math.exp %get3A_370 : vector<16xf32>
    %get3A_372 = arith.constant 192 : index
    %get3A_373 = tpu.vector_load %arg10[%get3A_372] {strides = array<i32>} : memref<512xf32, #tpu.memory_space<vmem>>, vector<16xf32>,
    %get3A_374 = vector.shape_cast %get3A_373 : vector<16xf32> to vector<16xf32>
    %mul3A_375 = arith.mulf %exp3A_371, %get3A_374 : vector<16xf32>
    %add3A_376 = arith.addf %get3A_367, %mul3A_375 : vector<16xf32>
    %max3A_377 = arith.constant 9.99999997E-7 : f32
    %max3A_378 = vector.broadcast %max3A_377 : f32 to vector<16xf32>
    %max3A_379 = arith.maximumf %add3A_376, %max3A_378 : vector<16xf32>
    %swap3A_380 = arith.constant 192 : index
    %swap3A_381 = tpu.vector_load %arg11[%swap3A_380] {strides = array<i32>} : memref<512xf32, #tpu.memory_space<vmem>>, vector<16xf32>,
    %swap3A_382 = vector.shape_cast %swap3A_381 : vector<16xf32> to vector<16xf32>
    %swap3A_383 = vector.shape_cast %max3A_379 : vector<16xf32> to vector<16xf32>
    tpu.vector_store %arg11[%swap3A_380], %swap3A_383 {strides = array<i32>} : memref<512xf32, #tpu.memory_space<vmem>>, vector<16xf32>,
    %get3A_384 = arith.constant 208 : index
    %get3A_385 = tpu.vector_load %arg8[%get3A_384] {strides = array<i32>} : memref<512xf32, #tpu.memory_space<vmem>>, vector<16xf32>,
    %get3A_386 = vector.shape_cast %get3A_385 : vector<16xf32> to vector<16xf32>
    %get3A_387 = arith.constant 208 : index
    %get3A_388 = tpu.vector_load %arg9[%get3A_387] {strides = array<i32>} : memref<512xf32, #tpu.memory_space<vmem>>, vector<16xf32>,
    %get3A_389 = vector.shape_cast %get3A_388 : vector<16xf32> to vector<16xf32>
    %exp3A_390 = math.exp %get3A_389 : vector<16xf32>
    %get3A_391 = arith.constant 208 : index
    %get3A_392 = tpu.vector_load %arg10[%get3A_391] {strides = array<i32>} : memref<512xf32, #tpu.memory_space<vmem>>, vector<16xf32>,
    %get3A_393 = vector.shape_cast %get3A_392 : vector<16xf32> to vector<16xf32>
    %mul3A_394 = arith.mulf %exp3A_390, %get3A_393 : vector<16xf32>
    %add3A_395 = arith.addf %get3A_386, %mul3A_394 : vector<16xf32>
    %max3A_396 = arith.constant 9.99999997E-7 : f32
    %max3A_397 = vector.broadcast %max3A_396 : f32 to vector<16xf32>
    %max3A_398 = arith.maximumf %add3A_395, %max3A_397 : vector<16xf32>
    %swap3A_399 = arith.constant 208 : index
    %swap3A_400 = tpu.vector_load %arg11[%swap3A_399] {strides = array<i32>} : memref<512xf32, #tpu.memory_space<vmem>>, vector<16xf32>,
    %swap3A_401 = vector.shape_cast %swap3A_400 : vector<16xf32> to vector<16xf32>
    %swap3A_402 = vector.shape_cast %max3A_398 : vector<16xf32> to vector<16xf32>
    tpu.vector_store %arg11[%swap3A_399], %swap3A_402 {strides = array<i32>} : memref<512xf32, #tpu.memory_space<vmem>>, vector<16xf32>,
    %get3A_403 = arith.constant 224 : index
    %get3A_404 = tpu.vector_load %arg8[%get3A_403] {strides = array<i32>} : memref<512xf32, #tpu.memory_space<vmem>>, vector<16xf32>,
    %get3A_405 = vector.shape_cast %get3A_404 : vector<16xf32> to vector<16xf32>
    %get3A_406 = arith.constant 224 : index
    %get3A_407 = tpu.vector_load %arg9[%get3A_406] {strides = array<i32>} : memref<512xf32, #tpu.memory_space<vmem>>, vector<16xf32>,
    %get3A_408 = vector.shape_cast %get3A_407 : vector<16xf32> to vector<16xf32>
    %exp3A_409 = math.exp %get3A_408 : vector<16xf32>
    %get3A_410 = arith.constant 224 : index
    %get3A_411 = tpu.vector_load %arg10[%get3A_410] {strides = array<i32>} : memref<512xf32, #tpu.memory_space<vmem>>, vector<16xf32>,
    %get3A_412 = vector.shape_cast %get3A_411 : vector<16xf32> to vector<16xf32>
    %mul3A_413 = arith.mulf %exp3A_409, %get3A_412 : vector<16xf32>
    %add3A_414 = arith.addf %get3A_405, %mul3A_413 : vector<16xf32>
    %max3A_415 = arith.constant 9.99999997E-7 : f32
    %max3A_416 = vector.broadcast %max3A_415 : f32 to vector<16xf32>
    %max3A_417 = arith.maximumf %add3A_414, %max3A_416 : vector<16xf32>
    %swap3A_418 = arith.constant 224 : index
    %swap3A_419 = tpu.vector_load %arg11[%swap3A_418] {strides = array<i32>} : memref<512xf32, #tpu.memory_space<vmem>>, vector<16xf32>,
    %swap3A_420 = vector.shape_cast %swap3A_419 : vector<16xf32> to vector<16xf32>
    %swap3A_421 = vector.shape_cast %max3A_417 : vector<16xf32> to vector<16xf32>
    tpu.vector_store %arg11[%swap3A_418], %swap3A_421 {strides = array<i32>} : memref<512xf32, #tpu.memory_space<vmem>>, vector<16xf32>,
    %get3A_422 = arith.constant 240 : index
    %get3A_423 = tpu.vector_load %arg8[%get3A_422] {strides = array<i32>} : memref<512xf32, #tpu.memory_space<vmem>>, vector<16xf32>,
    %get3A_424 = vector.shape_cast %get3A_423 : vector<16xf32> to vector<16xf32>
    %get3A_425 = arith.constant 240 : index
    %get3A_426 = tpu.vector_load %arg9[%get3A_425] {strides = array<i32>} : memref<512xf32, #tpu.memory_space<vmem>>, vector<16xf32>,
    %get3A_427 = vector.shape_cast %get3A_426 : vector<16xf32> to vector<16xf32>
    %exp3A_428 = math.exp %get3A_427 : vector<16xf32>
    %get3A_429 = arith.constant 240 : index
    %get3A_430 = tpu.vector_load %arg10[%get3A_429] {strides = array<i32>} : memref<512xf32, #tpu.memory_space<vmem>>, vector<16xf32>,
    %get3A_431 = vector.shape_cast %get3A_430 : vector<16xf32> to vector<16xf32>
    %mul3A_432 = arith.mulf %exp3A_428, %get3A_431 : vector<16xf32>
    %add3A_433 = arith.addf %get3A_424, %mul3A_432 : vector<16xf32>
    %max3A_434 = arith.constant 9.99999997E-7 : f32
    %max3A_435 = vector.broadcast %max3A_434 : f32 to vector<16xf32>
    %max3A_436 = arith.maximumf %add3A_433, %max3A_435 : vector<16xf32>
    %swap3A_437 = arith.constant 240 : index
    %swap3A_438 = tpu.vector_load %arg11[%swap3A_437] {strides = array<i32>} : memref<512xf32, #tpu.memory_space<vmem>>, vector<16xf32>,
    %swap3A_439 = vector.shape_cast %swap3A_438 : vector<16xf32> to vector<16xf32>
    %swap3A_440 = vector.shape_cast %max3A_436 : vector<16xf32> to vector<16xf32>
    tpu.vector_store %arg11[%swap3A_437], %swap3A_440 {strides = array<i32>} : memref<512xf32, #tpu.memory_space<vmem>>, vector<16xf32>,
    %add3A_441 = arith.constant 128 : i32
    %add3A_442 = arith.addi %mul3A_2, %add3A_441 : i32
    %dma_start3A_443 = arith.constant 128 : i32
    %dma_start3A_444 = tpu.memref_slice %arg11[%dma_start3A_443] : memref<512xf32, #tpu.memory_space<vmem>> -> memref<128xf32, #tpu.memory_space<vmem>>
    %dma_start3A_445 = tpu.memref_slice %arg6[%add3A_442] : memref<16384xf32, #tpu.memory_space<hbm>> -> memref<128xf32, #tpu.memory_space<hbm>>
    %dma_start3A_446 = tpu.memref_slice %arg6[%add3A_442] : memref<16384xf32, #tpu.memory_space<hbm>> -> memref<128xf32, #tpu.memory_space<hbm>>
    %dma_start3A_447 = arith.constant 128 : i32
    %dma_start3A_448 = tpu.memref_slice %arg11[%dma_start3A_447] : memref<512xf32, #tpu.memory_space<vmem>> -> memref<128xf32, #tpu.memory_space<vmem>>
    tpu.enqueue_dma source(%dma_start3A_448 : memref<128xf32, #tpu.memory_space<vmem>>) target(%dma_start3A_446 : memref<128xf32, #tpu.memory_space<hbm>>) target_semaphore(%arg14 : memref<!tpu.dma_semaphore, #tpu.memory_space<semaphore_mem>>)
    %dma_wait3A_449 = arith.constant 256 : i32
    %dma_wait3A_450 = tpu.memref_slice %arg8[%dma_wait3A_449] : memref<512xf32, #tpu.memory_space<vmem>> -> memref<128xf32, #tpu.memory_space<vmem>>
    %dma_wait3A_451 = arith.constant 256 : i32
    %dma_wait3A_452 = tpu.memref_slice %arg7[%dma_wait3A_451] : memref<512xi32, #tpu.memory_space<vmem>> -> memref<128xi32, #tpu.memory_space<vmem>>
    %dma_wait3A_453 = arith.constant 0 : i32
    %dma_wait3A_454 = tpu.memref_slice %arg3[%dma_wait3A_453] : memref<1000000xf32, #tpu.memory_space<hbm>> -> memref<1000000xf32, #tpu.memory_space<hbm>>
    tpu.wait_indirect_dma semaphore(%arg17 : memref<!tpu.dma_semaphore, #tpu.memory_space<semaphore_mem>>) src(%dma_wait3A_454 : memref<1000000xf32, #tpu.memory_space<hbm>>) dst(%dma_wait3A_450 : memref<128xf32, #tpu.memory_space<vmem>>)
    %dma_wait3A_455 = arith.constant 256 : i32
    %dma_wait3A_456 = tpu.memref_slice %arg9[%dma_wait3A_455] : memref<512xf32, #tpu.memory_space<vmem>> -> memref<128xf32, #tpu.memory_space<vmem>>
    %dma_wait3A_457 = arith.constant 256 : i32
    %dma_wait3A_458 = tpu.memref_slice %arg7[%dma_wait3A_457] : memref<512xi32, #tpu.memory_space<vmem>> -> memref<128xi32, #tpu.memory_space<vmem>>
    %dma_wait3A_459 = arith.constant 0 : i32
    %dma_wait3A_460 = tpu.memref_slice %arg4[%dma_wait3A_459] : memref<1000000xf32, #tpu.memory_space<hbm>> -> memref<1000000xf32, #tpu.memory_space<hbm>>
    tpu.wait_indirect_dma semaphore(%arg17 : memref<!tpu.dma_semaphore, #tpu.memory_space<semaphore_mem>>) src(%dma_wait3A_460 : memref<1000000xf32, #tpu.memory_space<hbm>>) dst(%dma_wait3A_456 : memref<128xf32, #tpu.memory_space<vmem>>)
    %get3A_461 = arith.constant 256 : index
    %get3A_462 = tpu.vector_load %arg8[%get3A_461] {strides = array<i32>} : memref<512xf32, #tpu.memory_space<vmem>>, vector<16xf32>,
    %get3A_463 = vector.shape_cast %get3A_462 : vector<16xf32> to vector<16xf32>
    %get3A_464 = arith.constant 256 : index
    %get3A_465 = tpu.vector_load %arg9[%get3A_464] {strides = array<i32>} : memref<512xf32, #tpu.memory_space<vmem>>, vector<16xf32>,
    %get3A_466 = vector.shape_cast %get3A_465 : vector<16xf32> to vector<16xf32>
    %exp3A_467 = math.exp %get3A_466 : vector<16xf32>
    %get3A_468 = arith.constant 256 : index
    %get3A_469 = tpu.vector_load %arg10[%get3A_468] {strides = array<i32>} : memref<512xf32, #tpu.memory_space<vmem>>, vector<16xf32>,
    %get3A_470 = vector.shape_cast %get3A_469 : vector<16xf32> to vector<16xf32>
    %mul3A_471 = arith.mulf %exp3A_467, %get3A_470 : vector<16xf32>
    %add3A_472 = arith.addf %get3A_463, %mul3A_471 : vector<16xf32>
    %max3A_473 = arith.constant 9.99999997E-7 : f32
    %max3A_474 = vector.broadcast %max3A_473 : f32 to vector<16xf32>
    %max3A_475 = arith.maximumf %add3A_472, %max3A_474 : vector<16xf32>
    %swap3A_476 = arith.constant 256 : index
    %swap3A_477 = tpu.vector_load %arg11[%swap3A_476] {strides = array<i32>} : memref<512xf32, #tpu.memory_space<vmem>>, vector<16xf32>,
    %swap3A_478 = vector.shape_cast %swap3A_477 : vector<16xf32> to vector<16xf32>
    %swap3A_479 = vector.shape_cast %max3A_475 : vector<16xf32> to vector<16xf32>
    tpu.vector_store %arg11[%swap3A_476], %swap3A_479 {strides = array<i32>} : memref<512xf32, #tpu.memory_space<vmem>>, vector<16xf32>,
    %get3A_480 = arith.constant 272 : index
    %get3A_481 = tpu.vector_load %arg8[%get3A_480] {strides = array<i32>} : memref<512xf32, #tpu.memory_space<vmem>>, vector<16xf32>,
    %get3A_482 = vector.shape_cast %get3A_481 : vector<16xf32> to vector<16xf32>
    %get3A_483 = arith.constant 272 : index
    %get3A_484 = tpu.vector_load %arg9[%get3A_483] {strides = array<i32>} : memref<512xf32, #tpu.memory_space<vmem>>, vector<16xf32>,
    %get3A_485 = vector.shape_cast %get3A_484 : vector<16xf32> to vector<16xf32>
    %exp3A_486 = math.exp %get3A_485 : vector<16xf32>
    %get3A_487 = arith.constant 272 : index
    %get3A_488 = tpu.vector_load %arg10[%get3A_487] {strides = array<i32>} : memref<512xf32, #tpu.memory_space<vmem>>, vector<16xf32>,
    %get3A_489 = vector.shape_cast %get3A_488 : vector<16xf32> to vector<16xf32>
    %mul3A_490 = arith.mulf %exp3A_486, %get3A_489 : vector<16xf32>
    %add3A_491 = arith.addf %get3A_482, %mul3A_490 : vector<16xf32>
    %max3A_492 = arith.constant 9.99999997E-7 : f32
    %max3A_493 = vector.broadcast %max3A_492 : f32 to vector<16xf32>
    %max3A_494 = arith.maximumf %add3A_491, %max3A_493 : vector<16xf32>
    %swap3A_495 = arith.constant 272 : index
    %swap3A_496 = tpu.vector_load %arg11[%swap3A_495] {strides = array<i32>} : memref<512xf32, #tpu.memory_space<vmem>>, vector<16xf32>,
    %swap3A_497 = vector.shape_cast %swap3A_496 : vector<16xf32> to vector<16xf32>
    %swap3A_498 = vector.shape_cast %max3A_494 : vector<16xf32> to vector<16xf32>
    tpu.vector_store %arg11[%swap3A_495], %swap3A_498 {strides = array<i32>} : memref<512xf32, #tpu.memory_space<vmem>>, vector<16xf32>,
    %get3A_499 = arith.constant 288 : index
    %get3A_500 = tpu.vector_load %arg8[%get3A_499] {strides = array<i32>} : memref<512xf32, #tpu.memory_space<vmem>>, vector<16xf32>,
    %get3A_501 = vector.shape_cast %get3A_500 : vector<16xf32> to vector<16xf32>
    %get3A_502 = arith.constant 288 : index
    %get3A_503 = tpu.vector_load %arg9[%get3A_502] {strides = array<i32>} : memref<512xf32, #tpu.memory_space<vmem>>, vector<16xf32>,
    %get3A_504 = vector.shape_cast %get3A_503 : vector<16xf32> to vector<16xf32>
    %exp3A_505 = math.exp %get3A_504 : vector<16xf32>
    %get3A_506 = arith.constant 288 : index
    %get3A_507 = tpu.vector_load %arg10[%get3A_506] {strides = array<i32>} : memref<512xf32, #tpu.memory_space<vmem>>, vector<16xf32>,
    %get3A_508 = vector.shape_cast %get3A_507 : vector<16xf32> to vector<16xf32>
    %mul3A_509 = arith.mulf %exp3A_505, %get3A_508 : vector<16xf32>
    %add3A_510 = arith.addf %get3A_501, %mul3A_509 : vector<16xf32>
    %max3A_511 = arith.constant 9.99999997E-7 : f32
    %max3A_512 = vector.broadcast %max3A_511 : f32 to vector<16xf32>
    %max3A_513 = arith.maximumf %add3A_510, %max3A_512 : vector<16xf32>
    %swap3A_514 = arith.constant 288 : index
    %swap3A_515 = tpu.vector_load %arg11[%swap3A_514] {strides = array<i32>} : memref<512xf32, #tpu.memory_space<vmem>>, vector<16xf32>,
    %swap3A_516 = vector.shape_cast %swap3A_515 : vector<16xf32> to vector<16xf32>
    %swap3A_517 = vector.shape_cast %max3A_513 : vector<16xf32> to vector<16xf32>
    tpu.vector_store %arg11[%swap3A_514], %swap3A_517 {strides = array<i32>} : memref<512xf32, #tpu.memory_space<vmem>>, vector<16xf32>,
    %get3A_518 = arith.constant 304 : index
    %get3A_519 = tpu.vector_load %arg8[%get3A_518] {strides = array<i32>} : memref<512xf32, #tpu.memory_space<vmem>>, vector<16xf32>,
    %get3A_520 = vector.shape_cast %get3A_519 : vector<16xf32> to vector<16xf32>
    %get3A_521 = arith.constant 304 : index
    %get3A_522 = tpu.vector_load %arg9[%get3A_521] {strides = array<i32>} : memref<512xf32, #tpu.memory_space<vmem>>, vector<16xf32>,
    %get3A_523 = vector.shape_cast %get3A_522 : vector<16xf32> to vector<16xf32>
    %exp3A_524 = math.exp %get3A_523 : vector<16xf32>
    %get3A_525 = arith.constant 304 : index
    %get3A_526 = tpu.vector_load %arg10[%get3A_525] {strides = array<i32>} : memref<512xf32, #tpu.memory_space<vmem>>, vector<16xf32>,
    %get3A_527 = vector.shape_cast %get3A_526 : vector<16xf32> to vector<16xf32>
    %mul3A_528 = arith.mulf %exp3A_524, %get3A_527 : vector<16xf32>
    %add3A_529 = arith.addf %get3A_520, %mul3A_528 : vector<16xf32>
    %max3A_530 = arith.constant 9.99999997E-7 : f32
    %max3A_531 = vector.broadcast %max3A_530 : f32 to vector<16xf32>
    %max3A_532 = arith.maximumf %add3A_529, %max3A_531 : vector<16xf32>
    %swap3A_533 = arith.constant 304 : index
    %swap3A_534 = tpu.vector_load %arg11[%swap3A_533] {strides = array<i32>} : memref<512xf32, #tpu.memory_space<vmem>>, vector<16xf32>,
    %swap3A_535 = vector.shape_cast %swap3A_534 : vector<16xf32> to vector<16xf32>
    %swap3A_536 = vector.shape_cast %max3A_532 : vector<16xf32> to vector<16xf32>
    tpu.vector_store %arg11[%swap3A_533], %swap3A_536 {strides = array<i32>} : memref<512xf32, #tpu.memory_space<vmem>>, vector<16xf32>,
    %get3A_537 = arith.constant 320 : index
    %get3A_538 = tpu.vector_load %arg8[%get3A_537] {strides = array<i32>} : memref<512xf32, #tpu.memory_space<vmem>>, vector<16xf32>,
    %get3A_539 = vector.shape_cast %get3A_538 : vector<16xf32> to vector<16xf32>
    %get3A_540 = arith.constant 320 : index
    %get3A_541 = tpu.vector_load %arg9[%get3A_540] {strides = array<i32>} : memref<512xf32, #tpu.memory_space<vmem>>, vector<16xf32>,
    %get3A_542 = vector.shape_cast %get3A_541 : vector<16xf32> to vector<16xf32>
    %exp3A_543 = math.exp %get3A_542 : vector<16xf32>
    %get3A_544 = arith.constant 320 : index
    %get3A_545 = tpu.vector_load %arg10[%get3A_544] {strides = array<i32>} : memref<512xf32, #tpu.memory_space<vmem>>, vector<16xf32>,
    %get3A_546 = vector.shape_cast %get3A_545 : vector<16xf32> to vector<16xf32>
    %mul3A_547 = arith.mulf %exp3A_543, %get3A_546 : vector<16xf32>
    %add3A_548 = arith.addf %get3A_539, %mul3A_547 : vector<16xf32>
    %max3A_549 = arith.constant 9.99999997E-7 : f32
    %max3A_550 = vector.broadcast %max3A_549 : f32 to vector<16xf32>
    %max3A_551 = arith.maximumf %add3A_548, %max3A_550 : vector<16xf32>
    %swap3A_552 = arith.constant 320 : index
    %swap3A_553 = tpu.vector_load %arg11[%swap3A_552] {strides = array<i32>} : memref<512xf32, #tpu.memory_space<vmem>>, vector<16xf32>,
    %swap3A_554 = vector.shape_cast %swap3A_553 : vector<16xf32> to vector<16xf32>
    %swap3A_555 = vector.shape_cast %max3A_551 : vector<16xf32> to vector<16xf32>
    tpu.vector_store %arg11[%swap3A_552], %swap3A_555 {strides = array<i32>} : memref<512xf32, #tpu.memory_space<vmem>>, vector<16xf32>,
    %get3A_556 = arith.constant 336 : index
    %get3A_557 = tpu.vector_load %arg8[%get3A_556] {strides = array<i32>} : memref<512xf32, #tpu.memory_space<vmem>>, vector<16xf32>,
    %get3A_558 = vector.shape_cast %get3A_557 : vector<16xf32> to vector<16xf32>
    %get3A_559 = arith.constant 336 : index
    %get3A_560 = tpu.vector_load %arg9[%get3A_559] {strides = array<i32>} : memref<512xf32, #tpu.memory_space<vmem>>, vector<16xf32>,
    %get3A_561 = vector.shape_cast %get3A_560 : vector<16xf32> to vector<16xf32>
    %exp3A_562 = math.exp %get3A_561 : vector<16xf32>
    %get3A_563 = arith.constant 336 : index
    %get3A_564 = tpu.vector_load %arg10[%get3A_563] {strides = array<i32>} : memref<512xf32, #tpu.memory_space<vmem>>, vector<16xf32>,
    %get3A_565 = vector.shape_cast %get3A_564 : vector<16xf32> to vector<16xf32>
    %mul3A_566 = arith.mulf %exp3A_562, %get3A_565 : vector<16xf32>
    %add3A_567 = arith.addf %get3A_558, %mul3A_566 : vector<16xf32>
    %max3A_568 = arith.constant 9.99999997E-7 : f32
    %max3A_569 = vector.broadcast %max3A_568 : f32 to vector<16xf32>
    %max3A_570 = arith.maximumf %add3A_567, %max3A_569 : vector<16xf32>
    %swap3A_571 = arith.constant 336 : index
    %swap3A_572 = tpu.vector_load %arg11[%swap3A_571] {strides = array<i32>} : memref<512xf32, #tpu.memory_space<vmem>>, vector<16xf32>,
    %swap3A_573 = vector.shape_cast %swap3A_572 : vector<16xf32> to vector<16xf32>
    %swap3A_574 = vector.shape_cast %max3A_570 : vector<16xf32> to vector<16xf32>
    tpu.vector_store %arg11[%swap3A_571], %swap3A_574 {strides = array<i32>} : memref<512xf32, #tpu.memory_space<vmem>>, vector<16xf32>,
    %get3A_575 = arith.constant 352 : index
    %get3A_576 = tpu.vector_load %arg8[%get3A_575] {strides = array<i32>} : memref<512xf32, #tpu.memory_space<vmem>>, vector<16xf32>,
    %get3A_577 = vector.shape_cast %get3A_576 : vector<16xf32> to vector<16xf32>
    %get3A_578 = arith.constant 352 : index
    %get3A_579 = tpu.vector_load %arg9[%get3A_578] {strides = array<i32>} : memref<512xf32, #tpu.memory_space<vmem>>, vector<16xf32>,
    %get3A_580 = vector.shape_cast %get3A_579 : vector<16xf32> to vector<16xf32>
    %exp3A_581 = math.exp %get3A_580 : vector<16xf32>
    %get3A_582 = arith.constant 352 : index
    %get3A_583 = tpu.vector_load %arg10[%get3A_582] {strides = array<i32>} : memref<512xf32, #tpu.memory_space<vmem>>, vector<16xf32>,
    %get3A_584 = vector.shape_cast %get3A_583 : vector<16xf32> to vector<16xf32>
    %mul3A_585 = arith.mulf %exp3A_581, %get3A_584 : vector<16xf32>
    %add3A_586 = arith.addf %get3A_577, %mul3A_585 : vector<16xf32>
    %max3A_587 = arith.constant 9.99999997E-7 : f32
    %max3A_588 = vector.broadcast %max3A_587 : f32 to vector<16xf32>
    %max3A_589 = arith.maximumf %add3A_586, %max3A_588 : vector<16xf32>
    %swap3A_590 = arith.constant 352 : index
    %swap3A_591 = tpu.vector_load %arg11[%swap3A_590] {strides = array<i32>} : memref<512xf32, #tpu.memory_space<vmem>>, vector<16xf32>,
    %swap3A_592 = vector.shape_cast %swap3A_591 : vector<16xf32> to vector<16xf32>
    %swap3A_593 = vector.shape_cast %max3A_589 : vector<16xf32> to vector<16xf32>
    tpu.vector_store %arg11[%swap3A_590], %swap3A_593 {strides = array<i32>} : memref<512xf32, #tpu.memory_space<vmem>>, vector<16xf32>,
    %get3A_594 = arith.constant 368 : index
    %get3A_595 = tpu.vector_load %arg8[%get3A_594] {strides = array<i32>} : memref<512xf32, #tpu.memory_space<vmem>>, vector<16xf32>,
    %get3A_596 = vector.shape_cast %get3A_595 : vector<16xf32> to vector<16xf32>
    %get3A_597 = arith.constant 368 : index
    %get3A_598 = tpu.vector_load %arg9[%get3A_597] {strides = array<i32>} : memref<512xf32, #tpu.memory_space<vmem>>, vector<16xf32>,
    %get3A_599 = vector.shape_cast %get3A_598 : vector<16xf32> to vector<16xf32>
    %exp3A_600 = math.exp %get3A_599 : vector<16xf32>
    %get3A_601 = arith.constant 368 : index
    %get3A_602 = tpu.vector_load %arg10[%get3A_601] {strides = array<i32>} : memref<512xf32, #tpu.memory_space<vmem>>, vector<16xf32>,
    %get3A_603 = vector.shape_cast %get3A_602 : vector<16xf32> to vector<16xf32>
    %mul3A_604 = arith.mulf %exp3A_600, %get3A_603 : vector<16xf32>
    %add3A_605 = arith.addf %get3A_596, %mul3A_604 : vector<16xf32>
    %max3A_606 = arith.constant 9.99999997E-7 : f32
    %max3A_607 = vector.broadcast %max3A_606 : f32 to vector<16xf32>
    %max3A_608 = arith.maximumf %add3A_605, %max3A_607 : vector<16xf32>
    %swap3A_609 = arith.constant 368 : index
    %swap3A_610 = tpu.vector_load %arg11[%swap3A_609] {strides = array<i32>} : memref<512xf32, #tpu.memory_space<vmem>>, vector<16xf32>,
    %swap3A_611 = vector.shape_cast %swap3A_610 : vector<16xf32> to vector<16xf32>
    %swap3A_612 = vector.shape_cast %max3A_608 : vector<16xf32> to vector<16xf32>
    tpu.vector_store %arg11[%swap3A_609], %swap3A_612 {strides = array<i32>} : memref<512xf32, #tpu.memory_space<vmem>>, vector<16xf32>,
    %add3A_613 = arith.constant 256 : i32
    %add3A_614 = arith.addi %mul3A_2, %add3A_613 : i32
    %dma_start3A_615 = arith.constant 256 : i32
    %dma_start3A_616 = tpu.memref_slice %arg11[%dma_start3A_615] : memref<512xf32, #tpu.memory_space<vmem>> -> memref<128xf32, #tpu.memory_space<vmem>>
    %dma_start3A_617 = tpu.memref_slice %arg6[%add3A_614] : memref<16384xf32, #tpu.memory_space<hbm>> -> memref<128xf32, #tpu.memory_space<hbm>>
    %dma_start3A_618 = tpu.memref_slice %arg6[%add3A_614] : memref<16384xf32, #tpu.memory_space<hbm>> -> memref<128xf32, #tpu.memory_space<hbm>>
    %dma_start3A_619 = arith.constant 256 : i32
    %dma_start3A_620 = tpu.memref_slice %arg11[%dma_start3A_619] : memref<512xf32, #tpu.memory_space<vmem>> -> memref<128xf32, #tpu.memory_space<vmem>>
    tpu.enqueue_dma source(%dma_start3A_620 : memref<128xf32, #tpu.memory_space<vmem>>) target(%dma_start3A_618 : memref<128xf32, #tpu.memory_space<hbm>>) target_semaphore(%arg14 : memref<!tpu.dma_semaphore, #tpu.memory_space<semaphore_mem>>)
    %dma_wait3A_621 = arith.constant 384 : i32
    %dma_wait3A_622 = tpu.memref_slice %arg8[%dma_wait3A_621] : memref<512xf32, #tpu.memory_space<vmem>> -> memref<128xf32, #tpu.memory_space<vmem>>
    %dma_wait3A_623 = arith.constant 384 : i32
    %dma_wait3A_624 = tpu.memref_slice %arg7[%dma_wait3A_623] : memref<512xi32, #tpu.memory_space<vmem>> -> memref<128xi32, #tpu.memory_space<vmem>>
    %dma_wait3A_625 = arith.constant 0 : i32
    %dma_wait3A_626 = tpu.memref_slice %arg3[%dma_wait3A_625] : memref<1000000xf32, #tpu.memory_space<hbm>> -> memref<1000000xf32, #tpu.memory_space<hbm>>
    tpu.wait_indirect_dma semaphore(%arg18 : memref<!tpu.dma_semaphore, #tpu.memory_space<semaphore_mem>>) src(%dma_wait3A_626 : memref<1000000xf32, #tpu.memory_space<hbm>>) dst(%dma_wait3A_622 : memref<128xf32, #tpu.memory_space<vmem>>)
    %dma_wait3A_627 = arith.constant 384 : i32
    %dma_wait3A_628 = tpu.memref_slice %arg9[%dma_wait3A_627] : memref<512xf32, #tpu.memory_space<vmem>> -> memref<128xf32, #tpu.memory_space<vmem>>
    %dma_wait3A_629 = arith.constant 384 : i32
    %dma_wait3A_630 = tpu.memref_slice %arg7[%dma_wait3A_629] : memref<512xi32, #tpu.memory_space<vmem>> -> memref<128xi32, #tpu.memory_space<vmem>>
    %dma_wait3A_631 = arith.constant 0 : i32
    %dma_wait3A_632 = tpu.memref_slice %arg4[%dma_wait3A_631] : memref<1000000xf32, #tpu.memory_space<hbm>> -> memref<1000000xf32, #tpu.memory_space<hbm>>
    tpu.wait_indirect_dma semaphore(%arg18 : memref<!tpu.dma_semaphore, #tpu.memory_space<semaphore_mem>>) src(%dma_wait3A_632 : memref<1000000xf32, #tpu.memory_space<hbm>>) dst(%dma_wait3A_628 : memref<128xf32, #tpu.memory_space<vmem>>)
    %get3A_633 = arith.constant 384 : index
    %get3A_634 = tpu.vector_load %arg8[%get3A_633] {strides = array<i32>} : memref<512xf32, #tpu.memory_space<vmem>>, vector<16xf32>,
    %get3A_635 = vector.shape_cast %get3A_634 : vector<16xf32> to vector<16xf32>
    %get3A_636 = arith.constant 384 : index
    %get3A_637 = tpu.vector_load %arg9[%get3A_636] {strides = array<i32>} : memref<512xf32, #tpu.memory_space<vmem>>, vector<16xf32>,
    %get3A_638 = vector.shape_cast %get3A_637 : vector<16xf32> to vector<16xf32>
    %exp3A_639 = math.exp %get3A_638 : vector<16xf32>
    %get3A_640 = arith.constant 384 : index
    %get3A_641 = tpu.vector_load %arg10[%get3A_640] {strides = array<i32>} : memref<512xf32, #tpu.memory_space<vmem>>, vector<16xf32>,
    %get3A_642 = vector.shape_cast %get3A_641 : vector<16xf32> to vector<16xf32>
    %mul3A_643 = arith.mulf %exp3A_639, %get3A_642 : vector<16xf32>
    %add3A_644 = arith.addf %get3A_635, %mul3A_643 : vector<16xf32>
    %max3A_645 = arith.constant 9.99999997E-7 : f32
    %max3A_646 = vector.broadcast %max3A_645 : f32 to vector<16xf32>
    %max3A_647 = arith.maximumf %add3A_644, %max3A_646 : vector<16xf32>
    %swap3A_648 = arith.constant 384 : index
    %swap3A_649 = tpu.vector_load %arg11[%swap3A_648] {strides = array<i32>} : memref<512xf32, #tpu.memory_space<vmem>>, vector<16xf32>,
    %swap3A_650 = vector.shape_cast %swap3A_649 : vector<16xf32> to vector<16xf32>
    %swap3A_651 = vector.shape_cast %max3A_647 : vector<16xf32> to vector<16xf32>
    tpu.vector_store %arg11[%swap3A_648], %swap3A_651 {strides = array<i32>} : memref<512xf32, #tpu.memory_space<vmem>>, vector<16xf32>,
    %get3A_652 = arith.constant 400 : index
    %get3A_653 = tpu.vector_load %arg8[%get3A_652] {strides = array<i32>} : memref<512xf32, #tpu.memory_space<vmem>>, vector<16xf32>,
    %get3A_654 = vector.shape_cast %get3A_653 : vector<16xf32> to vector<16xf32>
    %get3A_655 = arith.constant 400 : index
    %get3A_656 = tpu.vector_load %arg9[%get3A_655] {strides = array<i32>} : memref<512xf32, #tpu.memory_space<vmem>>, vector<16xf32>,
    %get3A_657 = vector.shape_cast %get3A_656 : vector<16xf32> to vector<16xf32>
    %exp3A_658 = math.exp %get3A_657 : vector<16xf32>
    %get3A_659 = arith.constant 400 : index
    %get3A_660 = tpu.vector_load %arg10[%get3A_659] {strides = array<i32>} : memref<512xf32, #tpu.memory_space<vmem>>, vector<16xf32>,
    %get3A_661 = vector.shape_cast %get3A_660 : vector<16xf32> to vector<16xf32>
    %mul3A_662 = arith.mulf %exp3A_658, %get3A_661 : vector<16xf32>
    %add3A_663 = arith.addf %get3A_654, %mul3A_662 : vector<16xf32>
    %max3A_664 = arith.constant 9.99999997E-7 : f32
    %max3A_665 = vector.broadcast %max3A_664 : f32 to vector<16xf32>
    %max3A_666 = arith.maximumf %add3A_663, %max3A_665 : vector<16xf32>
    %swap3A_667 = arith.constant 400 : index
    %swap3A_668 = tpu.vector_load %arg11[%swap3A_667] {strides = array<i32>} : memref<512xf32, #tpu.memory_space<vmem>>, vector<16xf32>,
    %swap3A_669 = vector.shape_cast %swap3A_668 : vector<16xf32> to vector<16xf32>
    %swap3A_670 = vector.shape_cast %max3A_666 : vector<16xf32> to vector<16xf32>
    tpu.vector_store %arg11[%swap3A_667], %swap3A_670 {strides = array<i32>} : memref<512xf32, #tpu.memory_space<vmem>>, vector<16xf32>,
    %get3A_671 = arith.constant 416 : index
    %get3A_672 = tpu.vector_load %arg8[%get3A_671] {strides = array<i32>} : memref<512xf32, #tpu.memory_space<vmem>>, vector<16xf32>,
    %get3A_673 = vector.shape_cast %get3A_672 : vector<16xf32> to vector<16xf32>
    %get3A_674 = arith.constant 416 : index
    %get3A_675 = tpu.vector_load %arg9[%get3A_674] {strides = array<i32>} : memref<512xf32, #tpu.memory_space<vmem>>, vector<16xf32>,
    %get3A_676 = vector.shape_cast %get3A_675 : vector<16xf32> to vector<16xf32>
    %exp3A_677 = math.exp %get3A_676 : vector<16xf32>
    %get3A_678 = arith.constant 416 : index
    %get3A_679 = tpu.vector_load %arg10[%get3A_678] {strides = array<i32>} : memref<512xf32, #tpu.memory_space<vmem>>, vector<16xf32>,
    %get3A_680 = vector.shape_cast %get3A_679 : vector<16xf32> to vector<16xf32>
    %mul3A_681 = arith.mulf %exp3A_677, %get3A_680 : vector<16xf32>
    %add3A_682 = arith.addf %get3A_673, %mul3A_681 : vector<16xf32>
    %max3A_683 = arith.constant 9.99999997E-7 : f32
    %max3A_684 = vector.broadcast %max3A_683 : f32 to vector<16xf32>
    %max3A_685 = arith.maximumf %add3A_682, %max3A_684 : vector<16xf32>
    %swap3A_686 = arith.constant 416 : index
    %swap3A_687 = tpu.vector_load %arg11[%swap3A_686] {strides = array<i32>} : memref<512xf32, #tpu.memory_space<vmem>>, vector<16xf32>,
    %swap3A_688 = vector.shape_cast %swap3A_687 : vector<16xf32> to vector<16xf32>
    %swap3A_689 = vector.shape_cast %max3A_685 : vector<16xf32> to vector<16xf32>
    tpu.vector_store %arg11[%swap3A_686], %swap3A_689 {strides = array<i32>} : memref<512xf32, #tpu.memory_space<vmem>>, vector<16xf32>,
    %get3A_690 = arith.constant 432 : index
    %get3A_691 = tpu.vector_load %arg8[%get3A_690] {strides = array<i32>} : memref<512xf32, #tpu.memory_space<vmem>>, vector<16xf32>,
    %get3A_692 = vector.shape_cast %get3A_691 : vector<16xf32> to vector<16xf32>
    %get3A_693 = arith.constant 432 : index
    %get3A_694 = tpu.vector_load %arg9[%get3A_693] {strides = array<i32>} : memref<512xf32, #tpu.memory_space<vmem>>, vector<16xf32>,
    %get3A_695 = vector.shape_cast %get3A_694 : vector<16xf32> to vector<16xf32>
    %exp3A_696 = math.exp %get3A_695 : vector<16xf32>
    %get3A_697 = arith.constant 432 : index
    %get3A_698 = tpu.vector_load %arg10[%get3A_697] {strides = array<i32>} : memref<512xf32, #tpu.memory_space<vmem>>, vector<16xf32>,
    %get3A_699 = vector.shape_cast %get3A_698 : vector<16xf32> to vector<16xf32>
    %mul3A_700 = arith.mulf %exp3A_696, %get3A_699 : vector<16xf32>
    %add3A_701 = arith.addf %get3A_692, %mul3A_700 : vector<16xf32>
    %max3A_702 = arith.constant 9.99999997E-7 : f32
    %max3A_703 = vector.broadcast %max3A_702 : f32 to vector<16xf32>
    %max3A_704 = arith.maximumf %add3A_701, %max3A_703 : vector<16xf32>
    %swap3A_705 = arith.constant 432 : index
    %swap3A_706 = tpu.vector_load %arg11[%swap3A_705] {strides = array<i32>} : memref<512xf32, #tpu.memory_space<vmem>>, vector<16xf32>,
    %swap3A_707 = vector.shape_cast %swap3A_706 : vector<16xf32> to vector<16xf32>
    %swap3A_708 = vector.shape_cast %max3A_704 : vector<16xf32> to vector<16xf32>
    tpu.vector_store %arg11[%swap3A_705], %swap3A_708 {strides = array<i32>} : memref<512xf32, #tpu.memory_space<vmem>>, vector<16xf32>,
    %get3A_709 = arith.constant 448 : index
    %get3A_710 = tpu.vector_load %arg8[%get3A_709] {strides = array<i32>} : memref<512xf32, #tpu.memory_space<vmem>>, vector<16xf32>,
    %get3A_711 = vector.shape_cast %get3A_710 : vector<16xf32> to vector<16xf32>
    %get3A_712 = arith.constant 448 : index
    %get3A_713 = tpu.vector_load %arg9[%get3A_712] {strides = array<i32>} : memref<512xf32, #tpu.memory_space<vmem>>, vector<16xf32>,
    %get3A_714 = vector.shape_cast %get3A_713 : vector<16xf32> to vector<16xf32>
    %exp3A_715 = math.exp %get3A_714 : vector<16xf32>
    %get3A_716 = arith.constant 448 : index
    %get3A_717 = tpu.vector_load %arg10[%get3A_716] {strides = array<i32>} : memref<512xf32, #tpu.memory_space<vmem>>, vector<16xf32>,
    %get3A_718 = vector.shape_cast %get3A_717 : vector<16xf32> to vector<16xf32>
    %mul3A_719 = arith.mulf %exp3A_715, %get3A_718 : vector<16xf32>
    %add3A_720 = arith.addf %get3A_711, %mul3A_719 : vector<16xf32>
    %max3A_721 = arith.constant 9.99999997E-7 : f32
    %max3A_722 = vector.broadcast %max3A_721 : f32 to vector<16xf32>
    %max3A_723 = arith.maximumf %add3A_720, %max3A_722 : vector<16xf32>
    %swap3A_724 = arith.constant 448 : index
    %swap3A_725 = tpu.vector_load %arg11[%swap3A_724] {strides = array<i32>} : memref<512xf32, #tpu.memory_space<vmem>>, vector<16xf32>,
    %swap3A_726 = vector.shape_cast %swap3A_725 : vector<16xf32> to vector<16xf32>
    %swap3A_727 = vector.shape_cast %max3A_723 : vector<16xf32> to vector<16xf32>
    tpu.vector_store %arg11[%swap3A_724], %swap3A_727 {strides = array<i32>} : memref<512xf32, #tpu.memory_space<vmem>>, vector<16xf32>,
    %get3A_728 = arith.constant 464 : index
    %get3A_729 = tpu.vector_load %arg8[%get3A_728] {strides = array<i32>} : memref<512xf32, #tpu.memory_space<vmem>>, vector<16xf32>,
    %get3A_730 = vector.shape_cast %get3A_729 : vector<16xf32> to vector<16xf32>
    %get3A_731 = arith.constant 464 : index
    %get3A_732 = tpu.vector_load %arg9[%get3A_731] {strides = array<i32>} : memref<512xf32, #tpu.memory_space<vmem>>, vector<16xf32>,
    %get3A_733 = vector.shape_cast %get3A_732 : vector<16xf32> to vector<16xf32>
    %exp3A_734 = math.exp %get3A_733 : vector<16xf32>
    %get3A_735 = arith.constant 464 : index
    %get3A_736 = tpu.vector_load %arg10[%get3A_735] {strides = array<i32>} : memref<512xf32, #tpu.memory_space<vmem>>, vector<16xf32>,
    %get3A_737 = vector.shape_cast %get3A_736 : vector<16xf32> to vector<16xf32>
    %mul3A_738 = arith.mulf %exp3A_734, %get3A_737 : vector<16xf32>
    %add3A_739 = arith.addf %get3A_730, %mul3A_738 : vector<16xf32>
    %max3A_740 = arith.constant 9.99999997E-7 : f32
    %max3A_741 = vector.broadcast %max3A_740 : f32 to vector<16xf32>
    %max3A_742 = arith.maximumf %add3A_739, %max3A_741 : vector<16xf32>
    %swap3A_743 = arith.constant 464 : index
    %swap3A_744 = tpu.vector_load %arg11[%swap3A_743] {strides = array<i32>} : memref<512xf32, #tpu.memory_space<vmem>>, vector<16xf32>,
    %swap3A_745 = vector.shape_cast %swap3A_744 : vector<16xf32> to vector<16xf32>
    %swap3A_746 = vector.shape_cast %max3A_742 : vector<16xf32> to vector<16xf32>
    tpu.vector_store %arg11[%swap3A_743], %swap3A_746 {strides = array<i32>} : memref<512xf32, #tpu.memory_space<vmem>>, vector<16xf32>,
    %get3A_747 = arith.constant 480 : index
    %get3A_748 = tpu.vector_load %arg8[%get3A_747] {strides = array<i32>} : memref<512xf32, #tpu.memory_space<vmem>>, vector<16xf32>,
    %get3A_749 = vector.shape_cast %get3A_748 : vector<16xf32> to vector<16xf32>
    %get3A_750 = arith.constant 480 : index
    %get3A_751 = tpu.vector_load %arg9[%get3A_750] {strides = array<i32>} : memref<512xf32, #tpu.memory_space<vmem>>, vector<16xf32>,
    %get3A_752 = vector.shape_cast %get3A_751 : vector<16xf32> to vector<16xf32>
    %exp3A_753 = math.exp %get3A_752 : vector<16xf32>
    %get3A_754 = arith.constant 480 : index
    %get3A_755 = tpu.vector_load %arg10[%get3A_754] {strides = array<i32>} : memref<512xf32, #tpu.memory_space<vmem>>, vector<16xf32>,
    %get3A_756 = vector.shape_cast %get3A_755 : vector<16xf32> to vector<16xf32>
    %mul3A_757 = arith.mulf %exp3A_753, %get3A_756 : vector<16xf32>
    %add3A_758 = arith.addf %get3A_749, %mul3A_757 : vector<16xf32>
    %max3A_759 = arith.constant 9.99999997E-7 : f32
    %max3A_760 = vector.broadcast %max3A_759 : f32 to vector<16xf32>
    %max3A_761 = arith.maximumf %add3A_758, %max3A_760 : vector<16xf32>
    %swap3A_762 = arith.constant 480 : index
    %swap3A_763 = tpu.vector_load %arg11[%swap3A_762] {strides = array<i32>} : memref<512xf32, #tpu.memory_space<vmem>>, vector<16xf32>,
    %swap3A_764 = vector.shape_cast %swap3A_763 : vector<16xf32> to vector<16xf32>
    %swap3A_765 = vector.shape_cast %max3A_761 : vector<16xf32> to vector<16xf32>
    tpu.vector_store %arg11[%swap3A_762], %swap3A_765 {strides = array<i32>} : memref<512xf32, #tpu.memory_space<vmem>>, vector<16xf32>,
    %get3A_766 = arith.constant 496 : index
    %get3A_767 = tpu.vector_load %arg8[%get3A_766] {strides = array<i32>} : memref<512xf32, #tpu.memory_space<vmem>>, vector<16xf32>,
    %get3A_768 = vector.shape_cast %get3A_767 : vector<16xf32> to vector<16xf32>
    %get3A_769 = arith.constant 496 : index
    %get3A_770 = tpu.vector_load %arg9[%get3A_769] {strides = array<i32>} : memref<512xf32, #tpu.memory_space<vmem>>, vector<16xf32>,
    %get3A_771 = vector.shape_cast %get3A_770 : vector<16xf32> to vector<16xf32>
    %exp3A_772 = math.exp %get3A_771 : vector<16xf32>
    %get3A_773 = arith.constant 496 : index
    %get3A_774 = tpu.vector_load %arg10[%get3A_773] {strides = array<i32>} : memref<512xf32, #tpu.memory_space<vmem>>, vector<16xf32>,
    %get3A_775 = vector.shape_cast %get3A_774 : vector<16xf32> to vector<16xf32>
    %mul3A_776 = arith.mulf %exp3A_772, %get3A_775 : vector<16xf32>
    %add3A_777 = arith.addf %get3A_768, %mul3A_776 : vector<16xf32>
    %max3A_778 = arith.constant 9.99999997E-7 : f32
    %max3A_779 = vector.broadcast %max3A_778 : f32 to vector<16xf32>
    %max3A_780 = arith.maximumf %add3A_777, %max3A_779 : vector<16xf32>
    %swap3A_781 = arith.constant 496 : index
    %swap3A_782 = tpu.vector_load %arg11[%swap3A_781] {strides = array<i32>} : memref<512xf32, #tpu.memory_space<vmem>>, vector<16xf32>,
    %swap3A_783 = vector.shape_cast %swap3A_782 : vector<16xf32> to vector<16xf32>
    %swap3A_784 = vector.shape_cast %max3A_780 : vector<16xf32> to vector<16xf32>
    tpu.vector_store %arg11[%swap3A_781], %swap3A_784 {strides = array<i32>} : memref<512xf32, #tpu.memory_space<vmem>>, vector<16xf32>,
    %add3A_785 = arith.constant 384 : i32
    %add3A_786 = arith.addi %mul3A_2, %add3A_785 : i32
    %dma_start3A_787 = arith.constant 384 : i32
    %dma_start3A_788 = tpu.memref_slice %arg11[%dma_start3A_787] : memref<512xf32, #tpu.memory_space<vmem>> -> memref<128xf32, #tpu.memory_space<vmem>>
    %dma_start3A_789 = tpu.memref_slice %arg6[%add3A_786] : memref<16384xf32, #tpu.memory_space<hbm>> -> memref<128xf32, #tpu.memory_space<hbm>>
    %dma_start3A_790 = tpu.memref_slice %arg6[%add3A_786] : memref<16384xf32, #tpu.memory_space<hbm>> -> memref<128xf32, #tpu.memory_space<hbm>>
    %dma_start3A_791 = arith.constant 384 : i32
    %dma_start3A_792 = tpu.memref_slice %arg11[%dma_start3A_791] : memref<512xf32, #tpu.memory_space<vmem>> -> memref<128xf32, #tpu.memory_space<vmem>>
    tpu.enqueue_dma source(%dma_start3A_792 : memref<128xf32, #tpu.memory_space<vmem>>) target(%dma_start3A_790 : memref<128xf32, #tpu.memory_space<hbm>>) target_semaphore(%arg14 : memref<!tpu.dma_semaphore, #tpu.memory_space<semaphore_mem>>)
    %dma_wait3A_793 = arith.constant 0 : i32
    %dma_wait3A_794 = tpu.memref_slice %arg11[%dma_wait3A_793] : memref<512xf32, #tpu.memory_space<vmem>> -> memref<128xf32, #tpu.memory_space<vmem>>
    %dma_wait3A_795 = tpu.memref_slice %arg6[%add3A_270] : memref<16384xf32, #tpu.memory_space<hbm>> -> memref<128xf32, #tpu.memory_space<hbm>>
    %dma_wait3A_796 = tpu.memref_slice %arg6[%add3A_270] : memref<16384xf32, #tpu.memory_space<hbm>> -> memref<128xf32, #tpu.memory_space<hbm>>
    %dma_wait3A_797 = arith.constant 0 : i32
    %dma_wait3A_798 = tpu.memref_slice %arg11[%dma_wait3A_797] : memref<512xf32, #tpu.memory_space<vmem>> -> memref<128xf32, #tpu.memory_space<vmem>>
    tpu.wait_dma2 semaphore(%arg14 : memref<!tpu.dma_semaphore, #tpu.memory_space<semaphore_mem>>) src(%dma_wait3A_798 : memref<128xf32, #tpu.memory_space<vmem>>) dst(%dma_wait3A_796 : memref<128xf32, #tpu.memory_space<hbm>>)
    %dma_wait3A_799 = arith.constant 128 : i32
    %dma_wait3A_800 = tpu.memref_slice %arg11[%dma_wait3A_799] : memref<512xf32, #tpu.memory_space<vmem>> -> memref<128xf32, #tpu.memory_space<vmem>>
    %dma_wait3A_801 = tpu.memref_slice %arg6[%add3A_442] : memref<16384xf32, #tpu.memory_space<hbm>> -> memref<128xf32, #tpu.memory_space<hbm>>
    %dma_wait3A_802 = tpu.memref_slice %arg6[%add3A_442] : memref<16384xf32, #tpu.memory_space<hbm>> -> memref<128xf32, #tpu.memory_space<hbm>>
    %dma_wait3A_803 = arith.constant 128 : i32
    %dma_wait3A_804 = tpu.memref_slice %arg11[%dma_wait3A_803] : memref<512xf32, #tpu.memory_space<vmem>> -> memref<128xf32, #tpu.memory_space<vmem>>
    tpu.wait_dma2 semaphore(%arg14 : memref<!tpu.dma_semaphore, #tpu.memory_space<semaphore_mem>>) src(%dma_wait3A_804 : memref<128xf32, #tpu.memory_space<vmem>>) dst(%dma_wait3A_802 : memref<128xf32, #tpu.memory_space<hbm>>)
    %dma_wait3A_805 = arith.constant 256 : i32
    %dma_wait3A_806 = tpu.memref_slice %arg11[%dma_wait3A_805] : memref<512xf32, #tpu.memory_space<vmem>> -> memref<128xf32, #tpu.memory_space<vmem>>
    %dma_wait3A_807 = tpu.memref_slice %arg6[%add3A_614] : memref<16384xf32, #tpu.memory_space<hbm>> -> memref<128xf32, #tpu.memory_space<hbm>>
    %dma_wait3A_808 = tpu.memref_slice %arg6[%add3A_614] : memref<16384xf32, #tpu.memory_space<hbm>> -> memref<128xf32, #tpu.memory_space<hbm>>
    %dma_wait3A_809 = arith.constant 256 : i32
    %dma_wait3A_810 = tpu.memref_slice %arg11[%dma_wait3A_809] : memref<512xf32, #tpu.memory_space<vmem>> -> memref<128xf32, #tpu.memory_space<vmem>>
    tpu.wait_dma2 semaphore(%arg14 : memref<!tpu.dma_semaphore, #tpu.memory_space<semaphore_mem>>) src(%dma_wait3A_810 : memref<128xf32, #tpu.memory_space<vmem>>) dst(%dma_wait3A_808 : memref<128xf32, #tpu.memory_space<hbm>>)
    %dma_wait3A_811 = arith.constant 384 : i32
    %dma_wait3A_812 = tpu.memref_slice %arg11[%dma_wait3A_811] : memref<512xf32, #tpu.memory_space<vmem>> -> memref<128xf32, #tpu.memory_space<vmem>>
    %dma_wait3A_813 = tpu.memref_slice %arg6[%add3A_786] : memref<16384xf32, #tpu.memory_space<hbm>> -> memref<128xf32, #tpu.memory_space<hbm>>
    %dma_wait3A_814 = tpu.memref_slice %arg6[%add3A_786] : memref<16384xf32, #tpu.memory_space<hbm>> -> memref<128xf32, #tpu.memory_space<hbm>>
    %dma_wait3A_815 = arith.constant 384 : i32
    %dma_wait3A_816 = tpu.memref_slice %arg11[%dma_wait3A_815] : memref<512xf32, #tpu.memory_space<vmem>> -> memref<128xf32, #tpu.memory_space<vmem>>
    tpu.wait_dma2 semaphore(%arg14 : memref<!tpu.dma_semaphore, #tpu.memory_space<semaphore_mem>>) src(%dma_wait3A_816 : memref<128xf32, #tpu.memory_space<vmem>>) dst(%dma_wait3A_814 : memref<128xf32, #tpu.memory_space<hbm>>)
    return
  }
}

</mosaic_0001>

<sc_bundles>
// kernel: kernel.3.cloned.1.call-start
scs
__scs_entry_jumppad:
0x0: {  	(pc) =	sbr.rel $0x88, $3  }
0x1: {  	(tag) =	ssettag $0x0;
	lr =	simm.s32 $0x1  }
0x2: {  	[smem:$0x3F9E] =	sst lr;
	_ =	strace $0xD0000000  }
0x3: {  	_ = 	snop  }
0x4: {  	_ = 	snop  }
0x5: {  	_ = 	snop  }
0x6: {  	_ = 	snop  }
0x7: {  	_ = 	snop  }
__scs_overlays_trampoline_lowered:
0x8: {  	[smem:$0x3FAD] =	sst s0  }
0x9: {  	[smem:$0x3FAE] =	sst s1  }
0xa: {  	[smem:$0x3FAF] =	sst s2  }
0xb: {  	[smem:$0x3FB0] =	sst s3  }
0xc: {  	[smem:$0x3FB1] =	sst s4  }
0xd: {  	[smem:$0x3FB2] =	sst s5  }
0xe: {  	[smem:$0x3FB3] =	sst s6  }
0xf: {  	[smem:$0x3FB4] =	sst s7  }
0x10: {  	[smem:$0x3FB5] =	sst s8  }
0x11: {  	[smem:$0x3FB6] =	sst s9;
	s0 =	simm.s32 @!p0 $0x0  }
0x12: {  	s1 =	sld [smem:$0x3F9C];
	s0 =	simm.s32 @p0 $0x1  }
0x13: {  	[smem:$0x3FB7] =	sst s0;
	s0 =	simm.s32 @!p1 $0x0  }
0x14: {  	s2 =	sld [smem:$0x3F9B];
	s0 =	simm.s32 @p1 $0x1  }
0x15: {  	[smem:$0x3FB8] =	sst s0;
	s0 =	simm.s32 @!p2 $0x0  }
0x16: {  	s3 =	sld [smem:$0x3FDB];
	s0 =	simm.s32 @p2 $0x1  }
0x17: {  	s4 =	simm.s32 $0x1BF5;
	[smem:$0x3FBA] =	sst s0  }
0x18: {  	s0 =	sld [smem:$0x3F9D];
	_ =	swait.ge [sflag:s4], $0x0  }
0x19: {  	s7 =	sld [smem:$0x3F9E]  }
0x1a: {  	s8 =	sadd.s32 $0xFFFFE003, lr  }
0x1b: {  	s9 =	sadd.s32 $0xFFFFFEF7, lr;
	s5 =	simm.s32 $0xFFFFFFFF;
	p2 =	slt.u32 s8, $0xFFFFF086  }
0x1c: {  	p1 =	slt.u32 s9, $0xF7A;
	s5 =	simm.s32 @!p2 $0x0  }
0x1d: {  	s5 =	simm.s32 @p1 $0x1;
	p0 =	seq.s32 s7, s2  }
0x1e: {  	s7 =	smul.u32 @!p0 $0xF7A, s2;
	p2 =	seq.s32 @!p0 s5, $0x0  }
0x1f: {  	s9 =	smul.u32 $0xF7A, s1;
	s8 =	simm.s32 @!p0 $0x1BF5;
	p2 =	por !p2, p0  }
0x20: {  	[sflag:s8] =	ssyncset.s32 @!p0 $0xFFFFF086;
	s6 =	sadd.s32 @!p0 s3, s7;
	s7 =	simm.s32 @!p0 $0x108  }
0x21: {  	s3 =	sadd.s32 s3, s9;
	s6 =	sadd.s32 @!p0 $0x88, s6;
	s7 =	simm.s32 @p2 $0x1082  }
0x22: {  	[simem:s7], [sflag:s8] =	dma.local @!p0 [hbm:s6], $0xF7A  }
0x23: {  	s9 =	sor.u32 $0xD0000000, s2;
	s6 =	simm.s32 $0x108;
	_ =	swait.ge @!p0 [sflag:s8], $0x0  }
0x24: {  	s3 =	sadd.s32 $0x88, s3;
	s6 =	simm.s32 @!p1 $0x1082;
	[sflag:s4] =	ssyncset.s32 $0xFFFFF086  }
0x25: {  	[simem:s6], [sflag:s4] =	dma.local [hbm:s3], $0xF7A  }
0x26: {  	[smem:$0x3F9E] =	sst s1;
	(tag) =	ssettag s2;
	_ =	strace s9  }
0x27: {  	s1 =	sld [smem:$0x3FAE]  }
0x28: {  	s2 =	sld [smem:$0x3FAF]  }
0x29: {  	s4 =	sld [smem:$0x3FB1]  }
0x2a: {  	p0 =	seq.s32 s5, $0x0;
	s5 =	sld [smem:$0x3FB2]  }
0x2b: {  	s6 =	sld [smem:$0x3FB3]  }
0x2c: {  	s7 =	sld [smem:$0x3FB4]  }
0x2d: {  	s3 =	simm.s32 $0x108;
	s8 =	sld [smem:$0x3FB5]  }
0x2e: {  	s3 =	simm.s32 @!p0 $0x1082;
	s9 =	sld [smem:$0x3FB6]  }
0x2f: {  	lr =	sadd.s32 s0, s3;
	s0 =	sld [smem:$0x3FAD]  }
0x30: {  	s3 =	sld [smem:$0x3FB0]  }
0x31: {  	[smem:$0x3FB9] =	sst s10  }
0x32: {  	s10 =	sld [smem:$0x3FB7];
	_ =	sdelay $0x3  }
0x33: {  	p0 =	seq.s32 s10, $0x1;
	s10 =	sld [smem:$0x3FB9];
	_ =	sdelay $0x3  }
0x34: {  	[smem:$0x3FB9] =	sst s10  }
0x35: {  	s10 =	sld [smem:$0x3FB8];
	_ =	sdelay $0x3  }
0x36: {  	p1 =	seq.s32 s10, $0x1;
	s10 =	sld [smem:$0x3FB9];
	_ =	sdelay $0x3  }
0x37: {  	[smem:$0x3FB9] =	sst s10  }
0x38: {  	s10 =	sld [smem:$0x3FBA]  }
0x39: {  	_ = 	snop;
	(pc) =	sbr.ind lr, $3  }
0x3a: {  	_ = 	snop  }
0x3b: {  	_ = 	snop  }
0x3c: {  	p2 =	seq.s32 s10, $0x1;
	s10 =	sld [smem:$0x3FB9]  }
0x3d: {  	_ =	shalt  }
0x3e: {  	_ =	shalt  }
0x3f: {  	_ =	shalt  }
0x40: {  	_ =	shalt  }
0x41: {  	_ =	shalt  }
0x42: {  	_ =	shalt  }
0x43: {  	_ =	shalt  }
0x44: {  	_ =	shalt  }
0x45: {  	_ =	shalt  }
0x46: {  	_ =	shalt  }
0x47: {  	_ =	shalt  }
0x48: {  	_ =	shalt  }
0x49: {  	_ =	shalt  }
0x4a: {  	_ =	shalt  }
0x4b: {  	_ =	shalt  }
0x4c: {  	_ =	shalt  }
0x4d: {  	_ =	shalt  }
0x4e: {  	_ =	shalt  }
0x4f: {  	_ =	shalt  }
0x50: {  	_ =	shalt  }
0x51: {  	_ =	shalt  }
0x52: {  	_ =	shalt  }
0x53: {  	_ =	shalt  }
0x54: {  	_ =	shalt  }
0x55: {  	_ =	shalt  }
0x56: {  	_ =	shalt  }
0x57: {  	_ =	shalt  }
0x58: {  	_ =	shalt  }
0x59: {  	_ =	shalt  }
0x5a: {  	_ =	shalt  }
0x5b: {  	_ =	shalt  }
0x5c: {  	_ =	shalt  }
0x5d: {  	_ =	shalt  }
0x5e: {  	_ =	shalt  }
0x5f: {  	_ =	shalt  }
0x60: {  	_ =	shalt  }
0x61: {  	_ =	shalt  }
0x62: {  	_ =	shalt  }
0x63: {  	_ =	shalt  }
0x64: {  	_ =	shalt  }
0x65: {  	_ =	shalt  }
0x66: {  	_ =	shalt  }
0x67: {  	_ =	shalt  }
0x68: {  	_ =	shalt  }
0x69: {  	_ =	shalt  }
0x6a: {  	_ =	shalt  }
0x6b: {  	_ =	shalt  }
0x6c: {  	_ =	shalt  }
0x6d: {  	_ =	shalt  }
0x6e: {  	_ =	shalt  }
0x6f: {  	_ =	shalt  }
0x70: {  	_ =	shalt  }
0x71: {  	_ =	shalt  }
0x72: {  	_ =	shalt  }
0x73: {  	_ =	shalt  }
0x74: {  	_ =	shalt  }
0x75: {  	_ =	shalt  }
0x76: {  	_ =	shalt  }
0x77: {  	_ =	shalt  }
0x78: {  	_ =	shalt  }
0x79: {  	_ =	shalt  }
0x7a: {  	_ =	shalt  }
0x7b: {  	_ =	shalt  }
0x7c: {  	_ =	shalt  }
0x7d: {  	_ =	shalt  }
0x7e: {  	_ =	shalt  }
0x7f: {  	_ =	shalt  }
0x80: {  	_ =	shalt  }
0x81: {  	_ =	shalt  }
0x82: {  	_ =	shalt  }
0x83: {  	_ =	shalt  }
0x84: {  	_ =	shalt  }
0x85: {  	_ =	shalt  }
0x86: {  	_ =	shalt  }
0x87: {  	_ =	shalt  }
.Lfunc_end0:
.L_simem_size_0:
called_computation_lowered:
.L_overlay_start_0:
0x88: {  	s2 =	sld [smem:$0x3FD9]  }
0x89: {  	s3 =	sld [smem:$0x3FFE];
	_ =	sdelay $0x1  }
0x8a: {  	s1 =	srdreg.scid  }
0x8b: {  	s0 =	sand.u32 $0x1, s1  }
0x8c: {  	s17 =	sshll.u32 s0, $0xA;
	s2 =	sadd.s32 s3, s2  }
0x8d: {  	s2 =	sadd.s32 s2, s17  }
0x8e: {  	[smem:$0x3FC5] =	sst s2  }
0x8f: {  	_ = 	snop  }
0x90: {  	s2 =	sld [smem:$0x3FC9]  }
0x91: {  	s18 =	sld [smem:$0x3FC8]  }
0x92: {  	s4 =	sld [smem:$0x3FC7]  }
0x93: {  	s5 =	sld [smem:$0x3FD0];
	(tm) =	ssettm $0x1  }
0x94: {  	s6 =	sld [smem:$0x3FFB];
	_ =	sdelay $0x3  }
0x95: {  	_ =	strace s6  }
0x96: {  	s6 =	sld [smem:$0x3FFC];
	_ =	sdelay $0x3  }
0x97: {  	_ =	strace s6  }
0x98: {  	s6 =	sld [smem:$0x3FFD];
	_ =	sdelay $0x3  }
0x99: {  	_ =	strace s6  }
0x9a: {  	_ =	strace $0x8FFFFFFF  }
0x9b: {  	s19 =	sld [smem:$0x3FDB];
	_ =	sdelay $0x1  }
0x9c: {  	s7 =	simm.s32 $_scs_section_size  }
0x9d: {  	s8 =	simm.s32 $_size__tile_overlayer_lowered;
	s9 =	simm.s32 $_tile_overlayer_lowered  }
0x9e: {  	s22 =	simm.s32 $0x1BFF;
	s21 =	sshll.u32 s9, $0x1;
	s6 =	sadd.s32 s7, s19  }
0x9f: {  	s10 =	simm.s32 $0x0;
	s20 =	sshll.u32 s8, $0x1;
	s8 =	sadd.s32 s21, s6  }
0xa0: {  	[timem:s10], [sflag:s22] =	dma.local [hbm:s8], s20  }
0xa1: {  	_ =	swait.ge [sflag:s22], s20  }
0xa2: {  	s7 =	ssub.s32 $0x0, s20;
	[sflag:s22] =	ssyncset.done $0x0  }
0xa3: {  	[sflag:s22] =	ssyncadd.s32 s7;
	_ =	sdelay $0x1  }
0xa4: {  	s23 =	simm.s32 $0x1B8B  }
0xa5: {  	_ =	swait.ge [sflag:s23], $0x1  }
0xa6: {  	[sflag:s23] =	ssyncset.done $0x0  }
0xa7: {  	s25 =	simm.s32 $0x1B8E;
	s24 =	sld [smem:$0x3FFE];
	[sflag:s23] =	ssyncadd.s32 $0xFFFFFFFF  }
0xa8: {  	s26 =	simm.s32 $execute0_lowered;
	[smem:$0x3FD2] =	sst s25  }
0xa9: {  	s8 =	sshll.u32 s26, $0x1;
	_ =	strace $0x80000046;
	[dreg:$0x1] =	wrdreg $0xFFFFFFFF  }
0xaa: {  	s28 =	simm.s32 $_size_execute0_lowered;
	s6 =	sadd.s32 s6, s8;
	[dreg:$0x0] =	wrdreg $0x0  }
0xab: {  	s8 =	sshll.u32 s28, $0x1;
	[dreg:$0x2] =	wrdreg s6  }
0xac: {  	[dreg:$0x3] =	wrdreg s8  }
0xad: {  	[dreg:$0x4] =	wrdreg $0xC0  }
0xae: {  	_ =	task [dreg:s10], $0x5FFFF  }
0xaf: {  	[dreg:$0x1] =	wrdreg $0xFFFFFFFF  }
0xb0: {  	[dreg:$0x0] =	wrdreg $0x60  }
0xb1: {  	[dreg:$0x2] =	wrdreg s2  }
0xb2: {  	[dreg:$0x3] =	wrdreg s18  }
0xb3: {  	[dreg:$0x4] =	wrdreg s4  }
0xb4: {  	[dreg:$0x5] =	wrdreg s24  }
0xb5: {  	[dreg:$0x6] =	wrdreg s5  }
0xb6: {  	[dreg:$0x7] =	wrdreg $0x9  }
0xb7: {  	_ =	task.clear_ibuf [dreg:s10], $0x8FFFF;
	_ =	strace $0x90000046  }
0xb8: {  	s29 =	simm.s32 $0x9;
	_ =	strace $0x80000048  }
0xb9: {  	_ =	swait.ge [sflag:s29], $0x1  }
0xba: {  	[sflag:s29] =	ssyncadd.s32 $0xFFFFFFFF  }
0xbb: {  	_ =	strace $0x90000048  }
0xbc: {  	_ =	sfence  }
0xbd: {  	s30 =	sld [smem:$0x0];
	_ =	sdelay $0x2  }
0xbe: {  	s31 =	sshll.u32 s1, $0xD;
	s1 =	sshrl.u32 s1, $0x2  }
0xbf: {  	s3 =	sand.u32 $0x4000, s31;
	s1 =	sadd.s32 s1, s30  }
0xc0: {  	s0 =	sor.u32 s3, s0;
	s1 =	sshll.u32 s1, $0x11  }
0xc1: {  	s0 =	sor.u32 s1, s0  }
0xc2: {  	s0 =	sadd.s32 $0x8F2B, s0  }
0xc3: {  	[sflag:s0] =	ssyncadd.remote.s32 $0x1  }
0xc4: {  	_ =	sfence.sel $0xFFFF  }
0xc5: {  	[dreg:$0x0] =	wrdreg $0xFFFFFFFF;
	(pc) =	sbr.abs _section_cstart, $3  }
0xc6: {  	[dreg:$0x1] =	wrdreg $0xFFFFFFFF  }
0xc7: {  	_ =	task.clear_ibuf [dreg:s10], $0x2FFFF;
	_ =	strace $0x9FFFFFFF  }
0xc8: {  	(tm) =	ssettm $0x7FFFFFFF  }
0xc9: {  	_ =	shalt  }
tec
execute0_lowered:
.L_overlay_start_1:
0x0: {  	(tag) =	ssettag $0x1  }
0x1: {  	s0 =	rddreg [dreg:$0x0]  }
0x2: {  	s1 =	rddreg [dreg:$0x1]  }
0x3: {  	s2 =	rddreg [dreg:$0x2]  }
0x4: {  	s5 =	rddreg [dreg:$0x3]  }
0x5: {  	s7 =	rddreg [dreg:$0x4]  }
0x6: {  	s4 =	srdreg.scid;
	s3 =	stileid.u32;
	s13 =	simm.s32 $0x1  }
0x7: {  	s14 =	simm.s32 $0x200;
	s15 =	simm.s32 $0x400;
	s16 =	simm.s32 $0x280  }
0x8: {  	s17 =	simm.s32 $0x480;
	s18 =	simm.s32 $0x300;
	s19 =	simm.s32 $0x500  }
0x9: {  	s20 =	simm.s32 $0x380;
	s28 =	simm.s32 $0x6;
	s29 =	simm.s32 $0x900  }
0xa: {  	s30 =	simm.s32 $0x7;
	s31 =	simm.s32 $0x980;
	s6 =	sand.u32 $0x1, s4  }
0xb: {  	s4 =	simm.s32 $0x0;
	s8 =	sshll.u32 s3, $0x7;
	s9 =	sshll.u32 s6, $0x6  }
0xc: {  	[smem:$0x7FF] =	sst s4;
	s6 =	ssub.s32 $0x2, s6;
	s8 =	sor.u32 s9, s8  }
0xd: {  	_ =	strace $0x80000047;
	s24 =	sshrl.u32 s6, $0x1;
	s9 =	sadd.s32 s0, s8  }
0xe: {  	s10 =	sor.u32 $0x10, s8;
	s11 =	sor.u32 $0x20, s8;
	s12 =	sor.u32 $0x30, s8  }
0xf: {  	s5 =	sadd.s32 s8, s5;
	s25 =	sadd.s32 s7, s8;
	s26 =	ssub.s32 s6, s24  }
0x10: {  	s24 =	simm.s32 $0x800;
	[dreg:$0x6] =	wrdreg s9;
	s21 =	sadd.s32 s0, s10  }
0x11: {  	s22 =	sadd.s32 s0, s11;
	s0 =	sadd.s32 s0, s12;
	s23 =	sadd.s32 $0x400, s5  }
0x12: {  	[dreg:$0xb] =	wrdreg s25;
	s5 =	sadd.s32 s7, s10;
	s6 =	sadd.s32 s7, s11  }
0x13: {  	s7 =	sadd.s32 s7, s12;
	s8 =	smax.u32 s26, $0x1;
	[dreg:$0x7] =	wrdreg s21  }
0x14: {  	s9 =	simm.s32 $0x80;
	s10 =	simm.s32 $0x100;
	[dreg:$0x8] =	wrdreg s22  }
0x15: {  	s11 =	simm.s32 $0x180;
	s25 =	simm.s32 $0x5;
	[dreg:$0x9] =	wrdreg s0  }
0x16: {  	s26 =	simm.s32 $0x880;
	[dreg:$0xa] =	wrdreg s23;
	s21 =	simm.s32 $0x580  }
0x17: {  	s22 =	simm.s32 $0x2;
	s23 =	simm.s32 $0x4;
	s0 =	simm.s32 $0x3  }
.LBB2_1:
0x18: {  	s3 =	rddreg [dreg:$0x6]  }
0x19: {  	[tilespmem:s4], [sflag:$0x1] =	stream.linear.gather [hbm4b:s3+s4], $0x80, $0x38;
	[tilespmem:$0xA00] =	vst v63  }
0x1a: {  	s12 =	rddreg [dreg:$0x7]  }
0x1b: {  	[tilespmem:s9], [sflag:$0x1] =	stream.linear.gather [hbm4b:s12+s4], $0x80, $0x38;
	[tilespmem:$0xA00] =	vst v63  }
0x1c: {  	s3 =	rddreg [dreg:$0x8]  }
0x1d: {  	[tilespmem:s10], [sflag:$0x1] =	stream.linear.gather [hbm4b:s3+s4], $0x80, $0x38;
	[tilespmem:$0xA00] =	vst v63  }
0x1e: {  	s12 =	rddreg [dreg:$0x9]  }
0x1f: {  	[tilespmem:s11], [sflag:$0x1] =	stream.linear.gather [hbm4b:s12+s4], $0x80, $0x38;
	[tilespmem:$0xA00] =	vst v63  }
0x20: {  	s3 =	rddreg [dreg:$0xa];
	s12 =	simm.s32 $0x600  }
0x21: {  	[tilespmem:s12], [sflag:$0x2] =	stream.linear.gather [hbm4b:s3+s4], $0x200, $0x38;
	[tilespmem:$0xA00] =	vst v63  }
0x22: {  	_ =	swait.ge [sflag:s13], $0x80  }
0x23: {  	[sflag:s13] =	ssyncset.done $0x0  }
0x24: {  	[sflag:s13] =	ssyncadd.s32 $0xFFFFFF80  }
0x25: {  	[tilespmem:s14], [sflag:$0x4] =	stream.indirect.gather [hbm4b:s1+s9], $0x1, s4, s9, $0xb8;
	[tilespmem:$0xA00] =	vst v63  }
0x26: {  	_ = 	snop  }
0x27: {  	[tilespmem:s15], [sflag:$0x4] =	stream.indirect.gather [hbm4b:s2+s9], $0x1, s4, s9, $0xb8;
	[tilespmem:$0xA00] =	vst v63  }
0x28: {  	_ =	swait.ge [sflag:s13], $0x80  }
0x29: {  	[sflag:s13] =	ssyncset.done $0x0  }
0x2a: {  	[sflag:s13] =	ssyncadd.s32 $0xFFFFFF80  }
0x2b: {  	[tilespmem:s16], [sflag:$0x5] =	stream.indirect.gather [hbm4b:s1+s9], $0x1, s9, s9, $0xb8;
	[tilespmem:$0xA00] =	vst v63  }
0x2c: {  	_ = 	snop  }
0x2d: {  	[tilespmem:s17], [sflag:$0x5] =	stream.indirect.gather [hbm4b:s2+s9], $0x1, s9, s9, $0xb8;
	[tilespmem:$0xA00] =	vst v63  }
0x2e: {  	_ =	swait.ge [sflag:s13], $0x80  }
0x2f: {  	[sflag:s13] =	ssyncset.done $0x0  }
0x30: {  	[sflag:s13] =	ssyncadd.s32 $0xFFFFFF80  }
0x31: {  	[tilespmem:s18], [sflag:$0x6] =	stream.indirect.gather [hbm4b:s1+s9], $0x1, s10, s9, $0xb8;
	[tilespmem:$0xA00] =	vst v63  }
0x32: {  	_ = 	snop  }
0x33: {  	[tilespmem:s19], [sflag:$0x6] =	stream.indirect.gather [hbm4b:s2+s9], $0x1, s10, s9, $0xb8;
	[tilespmem:$0xA00] =	vst v63  }
0x34: {  	_ =	swait.ge [sflag:s13], $0x80  }
0x35: {  	[sflag:s13] =	ssyncset.done $0x0  }
0x36: {  	[sflag:s13] =	ssyncadd.s32 $0xFFFFFF80  }
0x37: {  	[tilespmem:s20], [sflag:$0x7] =	stream.indirect.gather [hbm4b:s1+s9], $0x1, s11, s9, $0xb8;
	[tilespmem:$0xA00] =	vst v63  }
0x38: {  	_ = 	snop  }
0x39: {  	[tilespmem:s21], [sflag:$0x7] =	stream.indirect.gather [hbm4b:s2+s9], $0x1, s11, s9, $0xb8;
	[tilespmem:$0xA00] =	vst v63  }
0x3a: {  	_ =	swait.ge [sflag:s22], $0x200  }
0x3b: {  	[sflag:s22] =	ssyncset.done $0x0  }
0x3c: {  	[sflag:s22] =	ssyncadd.s32 $0xFFFFFE00  }
0x3d: {  	_ =	swait.ge [sflag:s23], $0x80  }
0x3e: {  	[sflag:s23] =	ssyncset.done $0x0  }
0x3f: {  	[sflag:s23] =	ssyncadd.s32 $0xFFFFFF80  }
0x40: {  	_ =	swait.ge [sflag:s23], $0x80  }
0x41: {  	[sflag:s23] =	ssyncset.done $0x0  }
0x42: {  	[sflag:s23] =	ssyncadd.s32 $0xFFFFFF80  }
0x43: {  	v0 =	vld [tilespmem:$0x200]  }
0x44: {  	v1 =	vld [tilespmem:$0x400]  }
0x45: {  	v2 =	vld [tilespmem:$0x600]  }
0x46: {  	v3 =	vld [tilespmem:$0x410]  }
0x47: {  	v4 =	vld [tilespmem:$0x420]  }
0x48: {  	v5 =	vld [tilespmem:$0x430]  }
0x49: {  	v6 =	vld [tilespmem:$0x440]  }
0x4a: {  	v7 =	vld [tilespmem:$0x450];
	v1 =	vmul.f32 $1.442695020e+00, v1  }
0x4b: {  	v8 =	vld [tilespmem:$0x460];
	v3 =	vmul.f32 $1.442695020e+00, v3  }
0x4c: {  	v39 =	vld [tilespmem:$0x470];
	v38 =	vmul.f32 $1.442695020e+00, v4;
	(erf) = vpow2.f32 v1  }
0x4d: {  	v9 =	vld [tilespmem:$0x210];
	v40 =	vmul.f32 $1.442695020e+00, v5;
	(erf) = vpow2.f32 v3  }
0x4e: {  	v41 =	vld [tilespmem:$0x610];
	v42 =	vmul.f32 $1.442695020e+00, v6;
	(erf) = vpow2.f32 v38  }
0x4f: {  	v43 =	vld [tilespmem:$0x220];
	v44 =	vmul.f32 $1.442695020e+00, v7;
	(erf) = vpow2.f32 v40  }
0x50: {  	v45 =	vld [tilespmem:$0x620];
	v46 =	vmul.f32 $1.442695020e+00, v8;
	(erf) = vpow2.f32 v42  }
0x51: {  	v47 =	vld [tilespmem:$0x230];
	v48 =	vmul.f32 $1.442695020e+00, v39;
	(erf) = vpow2.f32 v44  }
0x52: {  	v49 =	vld [tilespmem:$0x630];
	(erf) = vpow2.f32 v46  }
0x53: {  	v50 =	vld [tilespmem:$0x240];
	(erf) = vpow2.f32 v48  }
0x54: {  	v51 =	vld [tilespmem:$0x640]  }
0x55: {  	v11 =	vld [tilespmem:$0x250];
	v10 =	vpop (erf)  }
0x56: {  	v12 =	vld [tilespmem:$0x650];
	v2 =	vmul.f32 v10, v2;
	v52 =	vpop (erf)  }
0x57: {  	v13 =	vld [tilespmem:$0x660];
	v5 =	vmul.f32 v52, v41;
	v53 =	vpop (erf)  }
0x58: {  	v56 =	vld [tilespmem:$0x670];
	v0 =	vadd.f32 v2, v0;
	v54 =	vmul.f32 v53, v45;
	v55 =	vpop (erf)  }
0x59: {  	v58 =	vld [tilespmem:$0x260];
	v5 =	vadd.f32 v5, v9;
	v4 =	vmul.f32 v55, v49;
	v57 =	vpop (erf)  }
0x5a: {  	v60 =	vld [tilespmem:$0x270];
	v0 =	vmax.f32 v0, $9.999999970e-07;
	v2 =	vadd.f32 v54, v43;
	v3 =	vmul.f32 v57, v51;
	v59 =	vpop (erf)  }
0x5b: {  	[tilespmem:$0x800] =	vst v0;
	v61 =	vmax.f32 v5, $9.999999970e-07;
	v4 =	vadd.f32 v4, v47;
	v62 =	vmul.f32 v59, v12;
	v63 =	vpop (erf)  }
0x5c: {  	[tilespmem:$0x810] =	vst v61;
	v12 =	vmax.f32 v2, $9.999999970e-07;
	v1 =	vadd.f32 v3, v50;
	v13 =	vmul.f32 v63, v13;
	v14 =	vpop (erf)  }
0x5d: {  	[tilespmem:$0x820] =	vst v12;
	v15 =	vmax.f32 v4, $9.999999970e-07;
	v16 =	vadd.f32 v62, v11;
	v3 =	vmul.f32 v14, v56  }
0x5e: {  	[tilespmem:$0x830] =	vst v15;
	v17 =	vmax.f32 v1, $9.999999970e-07;
	v18 =	vadd.f32 v13, v58  }
0x5f: {  	[tilespmem:$0x840] =	vst v17;
	v19 =	vmax.f32 v16, $9.999999970e-07;
	v20 =	vadd.f32 v3, v60  }
0x60: {  	[tilespmem:$0x850] =	vst v19;
	v21 =	vmax.f32 v18, $9.999999970e-07  }
0x61: {  	[tilespmem:$0x860] =	vst v21;
	v22 =	vmax.f32 v20, $9.999999970e-07  }
0x62: {  	s12 =	rddreg [dreg:$0xb];
	[tilespmem:$0x870] =	vst v22  }
0x63: {  	[hbm4b:s12+s4] =	stream.linear.scatter [tilespmem:s24], [sflag:$0x3], $0x80, $0x38;
	[tilespmem:$0xA00] =	vst v63  }
0x64: {  	_ =	swait.ge [sflag:s25], $0x80  }
0x65: {  	[sflag:s25] =	ssyncset.done $0x0  }
0x66: {  	[sflag:s25] =	ssyncadd.s32 $0xFFFFFF80  }
0x67: {  	_ =	swait.ge [sflag:s25], $0x80  }
0x68: {  	[sflag:s25] =	ssyncset.done $0x0  }
0x69: {  	[sflag:s25] =	ssyncadd.s32 $0xFFFFFF80  }
0x6a: {  	v23 =	vld [tilespmem:$0x280]  }
0x6b: {  	v24 =	vld [tilespmem:$0x480]  }
0x6c: {  	v25 =	vld [tilespmem:$0x680]  }
0x6d: {  	v26 =	vld [tilespmem:$0x490]  }
0x6e: {  	v27 =	vld [tilespmem:$0x4A0]  }
0x6f: {  	v28 =	vld [tilespmem:$0x4B0]  }
0x70: {  	v29 =	vld [tilespmem:$0x4C0]  }
0x71: {  	v30 =	vld [tilespmem:$0x4D0];
	v1 =	vmul.f32 $1.442695020e+00, v24  }
0x72: {  	v31 =	vld [tilespmem:$0x4E0];
	v3 =	vmul.f32 $1.442695020e+00, v26  }
0x73: {  	v33 =	vld [tilespmem:$0x4F0];
	v32 =	vmul.f32 $1.442695020e+00, v27;
	(erf) = vpow2.f32 v1  }
0x74: {  	v34 =	vld [tilespmem:$0x290];
	v35 =	vmul.f32 $1.442695020e+00, v28;
	(erf) = vpow2.f32 v3  }
0x75: {  	v36 =	vld [tilespmem:$0x690];
	v37 =	vmul.f32 $1.442695020e+00, v29;
	(erf) = vpow2.f32 v32  }
0x76: {  	v38 =	vld [tilespmem:$0x2A0];
	v39 =	vmul.f32 $1.442695020e+00, v30;
	(erf) = vpow2.f32 v35  }
0x77: {  	v40 =	vld [tilespmem:$0x6A0];
	v41 =	vmul.f32 $1.442695020e+00, v31;
	(erf) = vpow2.f32 v37  }
0x78: {  	v42 =	vld [tilespmem:$0x2B0];
	v43 =	vmul.f32 $1.442695020e+00, v33;
	(erf) = vpow2.f32 v39  }
0x79: {  	v44 =	vld [tilespmem:$0x6B0];
	(erf) = vpow2.f32 v41  }
0x7a: {  	v45 =	vld [tilespmem:$0x2C0];
	(erf) = vpow2.f32 v43  }
0x7b: {  	v46 =	vld [tilespmem:$0x6C0]  }
0x7c: {  	v48 =	vld [tilespmem:$0x2D0];
	v47 =	vpop (erf)  }
0x7d: {  	v50 =	vld [tilespmem:$0x6D0];
	v2 =	vmul.f32 v47, v25;
	v49 =	vpop (erf)  }
0x7e: {  	v52 =	vld [tilespmem:$0x6E0];
	v5 =	vmul.f32 v49, v36;
	v51 =	vpop (erf)  }
0x7f: {  	v55 =	vld [tilespmem:$0x6F0];
	v0 =	vadd.f32 v2, v23;
	v53 =	vmul.f32 v51, v40;
	v54 =	vpop (erf)  }
0x80: {  	v57 =	vld [tilespmem:$0x2E0];
	v5 =	vadd.f32 v5, v34;
	v4 =	vmul.f32 v54, v44;
	v56 =	vpop (erf)  }
0x81: {  	v59 =	vld [tilespmem:$0x2F0];
	v0 =	vmax.f32 v0, $9.999999970e-07;
	v2 =	vadd.f32 v53, v38;
	v3 =	vmul.f32 v56, v46;
	v58 =	vpop (erf)  }
0x82: {  	[tilespmem:$0x880] =	vst v0;
	v60 =	vmax.f32 v5, $9.999999970e-07;
	v4 =	vadd.f32 v4, v42;
	v61 =	vmul.f32 v58, v50;
	v62 =	vpop (erf)  }
0x83: {  	[tilespmem:$0x890] =	vst v60;
	v63 =	vmax.f32 v2, $9.999999970e-07;
	v1 =	vadd.f32 v3, v45;
	v8 =	vmul.f32 v62, v52;
	v12 =	vpop (erf)  }
0x84: {  	[tilespmem:$0x8A0] =	vst v63;
	v13 =	vmax.f32 v4, $9.999999970e-07;
	v14 =	vadd.f32 v61, v48;
	v3 =	vmul.f32 v12, v55  }
0x85: {  	[tilespmem:$0x8B0] =	vst v13;
	v15 =	vmax.f32 v1, $9.999999970e-07;
	v16 =	vadd.f32 v8, v57  }
0x86: {  	[tilespmem:$0x8C0] =	vst v15;
	v17 =	vmax.f32 v14, $9.999999970e-07;
	v18 =	vadd.f32 v3, v59  }
0x87: {  	[tilespmem:$0x8D0] =	vst v17;
	v19 =	vmax.f32 v16, $9.999999970e-07  }
0x88: {  	[tilespmem:$0x8E0] =	vst v19;
	v20 =	vmax.f32 v18, $9.999999970e-07  }
0x89: {  	[tilespmem:$0x8F0] =	vst v20  }
0x8a: {  	[hbm4b:s5+s4] =	stream.linear.scatter [tilespmem:s26], [sflag:$0x3], $0x80, $0x38;
	[tilespmem:$0xA00] =	vst v63  }
0x8b: {  	_ =	swait.ge [sflag:s28], $0x80  }
0x8c: {  	[sflag:s28] =	ssyncset.done $0x0  }
0x8d: {  	[sflag:s28] =	ssyncadd.s32 $0xFFFFFF80  }
0x8e: {  	_ =	swait.ge [sflag:s28], $0x80  }
0x8f: {  	[sflag:s28] =	ssyncset.done $0x0  }
0x90: {  	[sflag:s28] =	ssyncadd.s32 $0xFFFFFF80  }
0x91: {  	v21 =	vld [tilespmem:$0x300]  }
0x92: {  	v22 =	vld [tilespmem:$0x500]  }
0x93: {  	v23 =	vld [tilespmem:$0x700]  }
0x94: {  	v24 =	vld [tilespmem:$0x510]  }
0x95: {  	v25 =	vld [tilespmem:$0x520]  }
0x96: {  	v26 =	vld [tilespmem:$0x530]  }
0x97: {  	v27 =	vld [tilespmem:$0x540]  }
0x98: {  	v28 =	vld [tilespmem:$0x550];
	v1 =	vmul.f32 $1.442695020e+00, v22  }
0x99: {  	v29 =	vld [tilespmem:$0x560];
	v3 =	vmul.f32 $1.442695020e+00, v24  }
0x9a: {  	v31 =	vld [tilespmem:$0x570];
	v30 =	vmul.f32 $1.442695020e+00, v25;
	(erf) = vpow2.f32 v1  }
0x9b: {  	v32 =	vld [tilespmem:$0x310];
	v33 =	vmul.f32 $1.442695020e+00, v26;
	(erf) = vpow2.f32 v3  }
0x9c: {  	v34 =	vld [tilespmem:$0x710];
	v35 =	vmul.f32 $1.442695020e+00, v27;
	(erf) = vpow2.f32 v30  }
0x9d: {  	v36 =	vld [tilespmem:$0x320];
	v37 =	vmul.f32 $1.442695020e+00, v28;
	(erf) = vpow2.f32 v33  }
0x9e: {  	v38 =	vld [tilespmem:$0x720];
	v39 =	vmul.f32 $1.442695020e+00, v29;
	(erf) = vpow2.f32 v35  }
0x9f: {  	v40 =	vld [tilespmem:$0x330];
	v41 =	vmul.f32 $1.442695020e+00, v31;
	(erf) = vpow2.f32 v37  }
0xa0: {  	v42 =	vld [tilespmem:$0x730];
	(erf) = vpow2.f32 v39  }
0xa1: {  	v43 =	vld [tilespmem:$0x340];
	(erf) = vpow2.f32 v41  }
0xa2: {  	v44 =	vld [tilespmem:$0x740]  }
0xa3: {  	v46 =	vld [tilespmem:$0x350];
	v45 =	vpop (erf)  }
0xa4: {  	v48 =	vld [tilespmem:$0x750];
	v2 =	vmul.f32 v45, v23;
	v47 =	vpop (erf)  }
0xa5: {  	v50 =	vld [tilespmem:$0x760];
	v5 =	vmul.f32 v47, v34;
	v49 =	vpop (erf)  }
0xa6: {  	v53 =	vld [tilespmem:$0x770];
	v0 =	vadd.f32 v2, v21;
	v51 =	vmul.f32 v49, v38;
	v52 =	vpop (erf)  }
0xa7: {  	v55 =	vld [tilespmem:$0x360];
	v5 =	vadd.f32 v5, v32;
	v4 =	vmul.f32 v52, v42;
	v54 =	vpop (erf)  }
0xa8: {  	v57 =	vld [tilespmem:$0x370];
	v0 =	vmax.f32 v0, $9.999999970e-07;
	v2 =	vadd.f32 v51, v36;
	v3 =	vmul.f32 v54, v44;
	v56 =	vpop (erf)  }
0xa9: {  	[tilespmem:$0x900] =	vst v0;
	v58 =	vmax.f32 v5, $9.999999970e-07;
	v4 =	vadd.f32 v4, v40;
	v59 =	vmul.f32 v56, v48;
	v60 =	vpop (erf)  }
0xaa: {  	[tilespmem:$0x910] =	vst v58;
	v61 =	vmax.f32 v2, $9.999999970e-07;
	v1 =	vadd.f32 v3, v43;
	v62 =	vmul.f32 v60, v50;
	v63 =	vpop (erf)  }
0xab: {  	[tilespmem:$0x920] =	vst v61;
	v8 =	vmax.f32 v4, $9.999999970e-07;
	v11 =	vadd.f32 v59, v46;
	v3 =	vmul.f32 v63, v53  }
0xac: {  	[tilespmem:$0x930] =	vst v8;
	v12 =	vmax.f32 v1, $9.999999970e-07;
	v13 =	vadd.f32 v62, v55  }
0xad: {  	[tilespmem:$0x940] =	vst v12;
	v14 =	vmax.f32 v11, $9.999999970e-07;
	v15 =	vadd.f32 v3, v57  }
0xae: {  	[tilespmem:$0x950] =	vst v14;
	v16 =	vmax.f32 v13, $9.999999970e-07  }
0xaf: {  	[tilespmem:$0x960] =	vst v16;
	v17 =	vmax.f32 v15, $9.999999970e-07  }
0xb0: {  	[tilespmem:$0x970] =	vst v17  }
0xb1: {  	[hbm4b:s6+s4] =	stream.linear.scatter [tilespmem:s29], [sflag:$0x3], $0x80, $0x38;
	[tilespmem:$0xA00] =	vst v63  }
0xb2: {  	_ =	swait.ge [sflag:s30], $0x80  }
0xb3: {  	[sflag:s30] =	ssyncset.done $0x0  }
0xb4: {  	[sflag:s30] =	ssyncadd.s32 $0xFFFFFF80  }
0xb5: {  	_ =	swait.ge [sflag:s30], $0x80  }
0xb6: {  	[sflag:s30] =	ssyncset.done $0x0  }
0xb7: {  	[sflag:s30] =	ssyncadd.s32 $0xFFFFFF80  }
0xb8: {  	v18 =	vld [tilespmem:$0x380]  }
0xb9: {  	v19 =	vld [tilespmem:$0x580]  }
0xba: {  	v20 =	vld [tilespmem:$0x780]  }
0xbb: {  	v21 =	vld [tilespmem:$0x590]  }
0xbc: {  	v22 =	vld [tilespmem:$0x5A0]  }
0xbd: {  	v23 =	vld [tilespmem:$0x5B0]  }
0xbe: {  	v24 =	vld [tilespmem:$0x5C0]  }
0xbf: {  	v25 =	vld [tilespmem:$0x5D0];
	v1 =	vmul.f32 $1.442695020e+00, v19  }
0xc0: {  	v26 =	vld [tilespmem:$0x5E0];
	v3 =	vmul.f32 $1.442695020e+00, v21  }
0xc1: {  	v28 =	vld [tilespmem:$0x5F0];
	v27 =	vmul.f32 $1.442695020e+00, v22;
	(erf) = vpow2.f32 v1  }
0xc2: {  	v29 =	vld [tilespmem:$0x390];
	v30 =	vmul.f32 $1.442695020e+00, v23;
	(erf) = vpow2.f32 v3  }
0xc3: {  	v31 =	vld [tilespmem:$0x790];
	v32 =	vmul.f32 $1.442695020e+00, v24;
	(erf) = vpow2.f32 v27  }
0xc4: {  	v33 =	vld [tilespmem:$0x3A0];
	v34 =	vmul.f32 $1.442695020e+00, v25;
	(erf) = vpow2.f32 v30  }
0xc5: {  	v35 =	vld [tilespmem:$0x7A0];
	v36 =	vmul.f32 $1.442695020e+00, v26;
	(erf) = vpow2.f32 v32  }
0xc6: {  	v37 =	vld [tilespmem:$0x3B0];
	v38 =	vmul.f32 $1.442695020e+00, v28;
	(erf) = vpow2.f32 v34  }
0xc7: {  	v39 =	vld [tilespmem:$0x7B0];
	(erf) = vpow2.f32 v36  }
0xc8: {  	v40 =	vld [tilespmem:$0x3C0];
	(erf) = vpow2.f32 v38  }
0xc9: {  	v41 =	vld [tilespmem:$0x7C0]  }
0xca: {  	v43 =	vld [tilespmem:$0x3D0];
	v42 =	vpop (erf)  }
0xcb: {  	v45 =	vld [tilespmem:$0x7D0];
	v44 =	vpop (erf);
	v2 =	vmul.f32 v42, v20  }
0xcc: {  	v47 =	vld [tilespmem:$0x7E0];
	v46 =	vpop (erf);
	v5 =	vmul.f32 v44, v31  }
0xcd: {  	v49 =	vld [tilespmem:$0x7F0];
	v14 =	vpop (erf);
	v0 =	vadd.f32 v2, v18;
	v48 =	vmul.f32 v46, v35  }
0xce: {  	v51 =	vld [tilespmem:$0x3E0];
	v50 =	vpop (erf);
	v5 =	vadd.f32 v5, v29;
	v4 =	vmul.f32 v14, v39  }
0xcf: {  	v53 =	vld [tilespmem:$0x3F0];
	v52 =	vpop (erf);
	v0 =	vmax.f32 v0, $9.999999970e-07;
	v2 =	vadd.f32 v48, v33;
	v3 =	vmul.f32 v50, v41  }
0xd0: {  	v54 =	vpop (erf);
	[tilespmem:$0x980] =	vst v0;
	v55 =	vadd.f32 v4, v37;
	v56 =	vmul.f32 v52, v45;
	v5 =	vmax.f32 v5, $9.999999970e-07  }
0xd1: {  	[tilespmem:$0x990] =	vst v5;
	v1 =	vadd.f32 v3, v40;
	v2 =	vmax.f32 v2, $9.999999970e-07;
	v57 =	vmul.f32 v54, v47;
	v58 =	vpop (erf)  }
0xd2: {  	[tilespmem:$0x9A0] =	vst v2;
	v59 =	vadd.f32 v56, v43;
	v60 =	vmul.f32 v58, v49;
	v0 =	vmax.f32 v55, $9.999999970e-07  }
0xd3: {  	[tilespmem:$0x9B0] =	vst v0;
	v61 =	vadd.f32 v57, v51;
	v1 =	vmax.f32 v1, $9.999999970e-07  }
0xd4: {  	[tilespmem:$0x9C0] =	vst v1;
	v62 =	vadd.f32 v60, v53;
	v2 =	vmax.f32 v59, $9.999999970e-07  }
0xd5: {  	[tilespmem:$0x9D0] =	vst v2;
	v0 =	vmax.f32 v61, $9.999999970e-07  }
0xd6: {  	[tilespmem:$0x9E0] =	vst v0;
	v63 =	vmax.f32 v62, $9.999999970e-07  }
0xd7: {  	[tilespmem:$0x9F0] =	vst v63  }
0xd8: {  	[hbm4b:s7+s4] =	stream.linear.scatter [tilespmem:s31], [sflag:$0x3], $0x80, $0x38;
	[tilespmem:$0xA00] =	vst v63  }
0xd9: {  	_ =	swait.ge [sflag:s0], $0x80  }
0xda: {  	[sflag:s0] =	ssyncset.done $0x0  }
0xdb: {  	[sflag:s0] =	ssyncadd.s32 $0xFFFFFF80  }
0xdc: {  	_ =	swait.ge [sflag:s0], $0x80  }
0xdd: {  	[sflag:s0] =	ssyncset.done $0x0  }
0xde: {  	[sflag:s0] =	ssyncadd.s32 $0xFFFFFF80  }
0xdf: {  	p0 =	sne.s32 s8, $0x1;
	_ =	swait.ge [sflag:s0], $0x80  }
.Ltmp0:
0xe0: {  	[sflag:s0] =	ssyncset.done $0x0;
	(pc) =	sbr.rel @p0 .LBB2_1-.Ltmp0, $4  }
0xe1: {  	[sflag:s0] =	ssyncadd.s32 $0xFFFFFF80  }
0xe2: {  	_ =	swait.ge [sflag:s0], $0x80  }
0xe3: {  	[sflag:s0] =	ssyncset.done $0x0  }
0xe4: {  	s8 =	sadd.s32 $0xFFFFFFFF, s8;
	[sflag:s0] =	ssyncadd.s32 $0xFFFFFF80  }
0xe5: {  	_ =	sfence.sel $0x180000  }
0xe6: {  	[bflag:$0x0] =	sbarrier.arrive $0xFFFF  }
0xe7: {  	_ =	strace $0x90000047  }
0xe8: {  	s0 =	stileid.u32;
	[bflag:$0x2] =	sbarrier.arrive $0xFFFF  }
0xe9: {  	p0 =	sne.s32 s0, $0x0;
	s0 =	rddreg [dreg:$0x5]  }
0xea: {  	s0 =	sadd.s32 @!p0 $0x100000, s0  }
0xeb: {  	[sflag:s0] =	ssyncadd.tile.s32 @!p0 $0x1;
	_ =	shalt  }
.Lfunc_end2:
_tile_overlayer_lowered:
.L_overlay_start_2:
0xec: {  	(tag) =	ssettag $0x2  }
0xed: {  	s0 =	rddreg [dreg:$0x0];
	s2 =	stileid.u32  }
0xee: {  	s1 =	rddreg [dreg:$0x1];
	p0 =	sne.s32 s2, $0x0  }
0xef: {  	s3 =	rddreg [dreg:$0x2];
	[bflag:$0x3] =	sbarrier.arrive $0xFFFF;
	s2 =	simm.s32 @!p0 $0x1C08  }
0xf0: {  	[timem:s3], [sflag:s2] =	dma.local @!p0 [hbm:s0], s1  }
0xf1: {  	s0 =	simm.s32 @!p0 $0x8  }
0xf2: {  	_ =	swait.ge @!p0 [sflag:s0], s1  }
0xf3: {  	s1 =	ssub.s32 @!p0 $0x0, s1;
	[sflag:s0] =	ssyncset.done @!p0 $0x0  }
0xf4: {  	[sflag:s0] =	ssyncadd.s32 @!p0 s1  }
0xf5: {  	[bflag:$0x3] =	sbarrier.arrive $0xFFFF  }
0xf6: {  	_ =	shalt  }

</sc_bundles>
